<compile_context>
chip_gen: v7x
topology: tpu7x:2x2x1
jax: 0.10.2.dev20260603
libtpu: 0.0.44.dev20260713+nightly
codegen_flags: <defaults>
</compile_context>

<pallas_src>
import jax
import jax.numpy as jnp
from jax import lax
from jax.experimental import pallas as pl
from jax.experimental.pallas import tpu as pltpu
from jax.experimental.pallas import tpu_sc as plsc

_NUM_TOKENS = 32768
_D_MODEL = 1024
_NUM_EXPERTS = 64
_LANES = 16
_NUM_WORKERS = 16
_CHUNK = _NUM_TOKENS // _NUM_WORKERS
_VECS = _CHUNK // _LANES
_GRID = 16
_BLOCK_ROWS = _NUM_TOKENS // _GRID


def _hist_body(tag_hbm, load_hbm, out_hbm, tag_v, hist_v, red_v, buf_v, load_v,
               shared):
    sid = lax.axis_index("s")
    lanes = lax.iota(jnp.int32, _LANES)
    zeros = jnp.zeros((_LANES,), jnp.int32)
    ones = jnp.ones((_LANES,), jnp.int32)

    for b in range(_NUM_EXPERTS):
        hist_v[pl.ds(b * _LANES, _LANES)] = zeros

    pltpu.sync_copy(tag_hbm.at[pl.ds(sid * _CHUNK, _CHUNK)], tag_v)

    def body(i, carry):
        t = tag_v[pl.ds(i * _LANES, _LANES)]
        plsc.addupdate_scatter(hist_v, [t * _LANES + lanes], ones)
        return carry

    lax.fori_loop(0, _VECS, body, 0)

    for k in range(_NUM_EXPERTS // _LANES):
        rows = (lanes + (k * _LANES)) * _LANES
        acc = plsc.load_gather(hist_v, [rows])
        for c in range(1, _LANES):
            acc = acc + plsc.load_gather(hist_v, [rows + c])
        red_v[pl.ds(k * _LANES, _LANES)] = acc

    pltpu.sync_copy(red_v, shared.at[pl.ds(sid * _NUM_EXPERTS, _NUM_EXPERTS)])
    plsc.subcore_barrier()

    @pl.when(sid == 0)
    def _():
        pltpu.sync_copy(load_hbm, load_v)
        pltpu.sync_copy(shared, buf_v)
        lv = load_v[...]
        for k in range(_NUM_EXPERTS // _LANES):
            acc = buf_v[pl.ds(k * _LANES, _LANES)]
            for w in range(1, _NUM_WORKERS):
                acc = acc + buf_v[pl.ds(w * _NUM_EXPERTS + k * _LANES, _LANES)]
            red_v[pl.ds(k * _LANES, _LANES)] = jnp.minimum(acc, lv)
        pltpu.sync_copy(red_v, out_hbm)


def _capacity_sc(tag, load_vec):
    mesh = plsc.VectorSubcoreMesh(
        core_axis_name="c", subcore_axis_name="s",
        num_cores=1, num_subcores=_NUM_WORKERS)
    return pl.kernel(
        _hist_body,
        out_type=jax.ShapeDtypeStruct((_NUM_EXPERTS,), jnp.int32),
        mesh=mesh,
        compiler_params=pltpu.CompilerParams(needs_layout_passes=False),
        scratch_types=[
            pltpu.VMEM((_CHUNK,), jnp.int32),
            pltpu.VMEM((_NUM_EXPERTS * _LANES,), jnp.int32),
            pltpu.VMEM((_NUM_EXPERTS,), jnp.int32),
            pltpu.VMEM((_NUM_WORKERS * _NUM_EXPERTS,), jnp.int32),
            pltpu.VMEM((_LANES,), jnp.int32),
            pltpu.VMEM_SHARED((_NUM_WORKERS * _NUM_EXPERTS,), jnp.int32),
        ],
    )(tag, load_vec)


@jax.jit
def _annotate(x, tag, load_vec):
    capacity = _capacity_sc(tag, load_vec)
    scale = (load_vec[0] * 0 + 1).astype(jnp.float32)
    x_out = x * scale
    return x_out, capacity


def kernel(x, tag, load):
    load_vec = jnp.full((_LANES,), load, dtype=jnp.int32)
    x_out, capacity = _annotate(x, tag, load_vec)
    return (x_out, tag, capacity)

# --- scband reference (transcript-rebuilt; emitter-appended) ---
"""Pipeline reference for scband-annotator-23055384445672 (READ-ONLY COPY).

The authoritative reference and input builder live on the scoring server;
editing this copy changes nothing except your own understanding.
"""

import jax, jax.numpy as jnp
import numpy as np

NUM_TOKENS = 32768
D_MODEL = 1024
NUM_EXPERTS = 64

def setup_inputs(seed: int = 0):
    key = jax.random.key(seed)
    k1, k2 = jax.random.split(key)
    x = jax.random.normal(k1, (NUM_TOKENS, D_MODEL), dtype=jnp.float32)
    tag = jax.random.randint(k2, (NUM_TOKENS,), 0, NUM_EXPERTS, dtype=jnp.int32)
    load = 512
    return {"x": x, "tag": tag, "load": load}

def reference(x, tag, load):
    # GridTensor annotator pack(): attaches (tag, load) routing metadata to the token
    # tensor. The tensor *data* is passed through unchanged (annotation is metadata-
    # only in the torch module). The load accounting that the annotation carries is
    # the per-expert token count, which we compute faithfully as a histogram over the
    # routing tags, clipped to the declared capacity `load`.
    load_hist = jnp.bincount(tag, length=NUM_EXPERTS)
    capacity = jnp.minimum(load_hist, jnp.asarray(load, dtype=load_hist.dtype))
    return (x, tag, capacity)

if __name__ == "__main__":
    import jax
    _d = setup_inputs()
    print(jax.jit(kernel)(*tuple(_d.values())))

</pallas_src>

<mosaic_0001>
#map = affine_map<(d0, d1) -> (0)>
module attributes {stable_mosaic.version = 14 : i64} {
  func.func @_hist_body(%arg0: i32, %arg1: i32, %arg2: memref<32768xi32, #tpu.memory_space<hbm>>, %arg3: memref<16xi32, #tpu.memory_space<hbm>>, %arg4: memref<64xi32, #tpu.memory_space<hbm>>, %arg5: memref<2048xi32, #tpu.memory_space<vmem>>, %arg6: memref<1024xi32, #tpu.memory_space<vmem>>, %arg7: memref<64xi32, #tpu.memory_space<vmem>>, %arg8: memref<1024xi32, #tpu.memory_space<vmem>>, %arg9: memref<16xi32, #tpu.memory_space<vmem>>, %arg10: memref<1024xi32, #tpu.memory_space<vmem_shared>>) attributes {dimension_semantics = [#tpu.dimension_semantics<core_parallel>, #tpu.dimension_semantics<subcore_parallel>], iteration_bounds = array<i64: 1, 16>, scalar_prefetch = 0 : i64, scratch_operands = 6 : i64, tpu.core_type = #tpu.core_type<sc_vector_subcore>, window_params = [{transform_indices = #map}, {transform_indices = #map}, {transform_indices = #map}]} {
    %iota3A = tpu.iota {dimensions = array<i32: 0>} : vector<16xi32>
    %broadcast_in_dim3A = arith.constant 0 : i32
    %broadcast_in_dim3A_0 = vector.broadcast %broadcast_in_dim3A : i32 to vector<16xi32>
    %broadcast_in_dim3A_1 = arith.constant 1 : i32
    %broadcast_in_dim3A_2 = vector.broadcast %broadcast_in_dim3A_1 : i32 to vector<16xi32>
    %swap3A = arith.constant 0 : index
    %swap3A_3 = tpu.vector_load %arg6[%swap3A] {strides = array<i32>} : memref<1024xi32, #tpu.memory_space<vmem>>, vector<16xi32>,
    tpu.vector_store %arg6[%swap3A], %broadcast_in_dim3A_0 {strides = array<i32>} : memref<1024xi32, #tpu.memory_space<vmem>>, vector<16xi32>,
    %swap3A_4 = arith.constant 16 : index
    %swap3A_5 = tpu.vector_load %arg6[%swap3A_4] {strides = array<i32>} : memref<1024xi32, #tpu.memory_space<vmem>>, vector<16xi32>,
    tpu.vector_store %arg6[%swap3A_4], %broadcast_in_dim3A_0 {strides = array<i32>} : memref<1024xi32, #tpu.memory_space<vmem>>, vector<16xi32>,
    %swap3A_6 = arith.constant 32 : index
    %swap3A_7 = tpu.vector_load %arg6[%swap3A_6] {strides = array<i32>} : memref<1024xi32, #tpu.memory_space<vmem>>, vector<16xi32>,
    tpu.vector_store %arg6[%swap3A_6], %broadcast_in_dim3A_0 {strides = array<i32>} : memref<1024xi32, #tpu.memory_space<vmem>>, vector<16xi32>,
    %swap3A_8 = arith.constant 48 : index
    %swap3A_9 = tpu.vector_load %arg6[%swap3A_8] {strides = array<i32>} : memref<1024xi32, #tpu.memory_space<vmem>>, vector<16xi32>,
    tpu.vector_store %arg6[%swap3A_8], %broadcast_in_dim3A_0 {strides = array<i32>} : memref<1024xi32, #tpu.memory_space<vmem>>, vector<16xi32>,
    %swap3A_10 = arith.constant 64 : index
    %swap3A_11 = tpu.vector_load %arg6[%swap3A_10] {strides = array<i32>} : memref<1024xi32, #tpu.memory_space<vmem>>, vector<16xi32>,
    tpu.vector_store %arg6[%swap3A_10], %broadcast_in_dim3A_0 {strides = array<i32>} : memref<1024xi32, #tpu.memory_space<vmem>>, vector<16xi32>,
    %swap3A_12 = arith.constant 80 : index
    %swap3A_13 = tpu.vector_load %arg6[%swap3A_12] {strides = array<i32>} : memref<1024xi32, #tpu.memory_space<vmem>>, vector<16xi32>,
    tpu.vector_store %arg6[%swap3A_12], %broadcast_in_dim3A_0 {strides = array<i32>} : memref<1024xi32, #tpu.memory_space<vmem>>, vector<16xi32>,
    %swap3A_14 = arith.constant 96 : index
    %swap3A_15 = tpu.vector_load %arg6[%swap3A_14] {strides = array<i32>} : memref<1024xi32, #tpu.memory_space<vmem>>, vector<16xi32>,
    tpu.vector_store %arg6[%swap3A_14], %broadcast_in_dim3A_0 {strides = array<i32>} : memref<1024xi32, #tpu.memory_space<vmem>>, vector<16xi32>,
    %swap3A_16 = arith.constant 112 : index
    %swap3A_17 = tpu.vector_load %arg6[%swap3A_16] {strides = array<i32>} : memref<1024xi32, #tpu.memory_space<vmem>>, vector<16xi32>,
    tpu.vector_store %arg6[%swap3A_16], %broadcast_in_dim3A_0 {strides = array<i32>} : memref<1024xi32, #tpu.memory_space<vmem>>, vector<16xi32>,
    %swap3A_18 = arith.constant 128 : index
    %swap3A_19 = tpu.vector_load %arg6[%swap3A_18] {strides = array<i32>} : memref<1024xi32, #tpu.memory_space<vmem>>, vector<16xi32>,
    tpu.vector_store %arg6[%swap3A_18], %broadcast_in_dim3A_0 {strides = array<i32>} : memref<1024xi32, #tpu.memory_space<vmem>>, vector<16xi32>,
    %swap3A_20 = arith.constant 144 : index
    %swap3A_21 = tpu.vector_load %arg6[%swap3A_20] {strides = array<i32>} : memref<1024xi32, #tpu.memory_space<vmem>>, vector<16xi32>,
    tpu.vector_store %arg6[%swap3A_20], %broadcast_in_dim3A_0 {strides = array<i32>} : memref<1024xi32, #tpu.memory_space<vmem>>, vector<16xi32>,
    %swap3A_22 = arith.constant 160 : index
    %swap3A_23 = tpu.vector_load %arg6[%swap3A_22] {strides = array<i32>} : memref<1024xi32, #tpu.memory_space<vmem>>, vector<16xi32>,
    tpu.vector_store %arg6[%swap3A_22], %broadcast_in_dim3A_0 {strides = array<i32>} : memref<1024xi32, #tpu.memory_space<vmem>>, vector<16xi32>,
    %swap3A_24 = arith.constant 176 : index
    %swap3A_25 = tpu.vector_load %arg6[%swap3A_24] {strides = array<i32>} : memref<1024xi32, #tpu.memory_space<vmem>>, vector<16xi32>,
    tpu.vector_store %arg6[%swap3A_24], %broadcast_in_dim3A_0 {strides = array<i32>} : memref<1024xi32, #tpu.memory_space<vmem>>, vector<16xi32>,
    %swap3A_26 = arith.constant 192 : index
    %swap3A_27 = tpu.vector_load %arg6[%swap3A_26] {strides = array<i32>} : memref<1024xi32, #tpu.memory_space<vmem>>, vector<16xi32>,
    tpu.vector_store %arg6[%swap3A_26], %broadcast_in_dim3A_0 {strides = array<i32>} : memref<1024xi32, #tpu.memory_space<vmem>>, vector<16xi32>,
    %swap3A_28 = arith.constant 208 : index
    %swap3A_29 = tpu.vector_load %arg6[%swap3A_28] {strides = array<i32>} : memref<1024xi32, #tpu.memory_space<vmem>>, vector<16xi32>,
    tpu.vector_store %arg6[%swap3A_28], %broadcast_in_dim3A_0 {strides = array<i32>} : memref<1024xi32, #tpu.memory_space<vmem>>, vector<16xi32>,
    %swap3A_30 = arith.constant 224 : index
    %swap3A_31 = tpu.vector_load %arg6[%swap3A_30] {strides = array<i32>} : memref<1024xi32, #tpu.memory_space<vmem>>, vector<16xi32>,
    tpu.vector_store %arg6[%swap3A_30], %broadcast_in_dim3A_0 {strides = array<i32>} : memref<1024xi32, #tpu.memory_space<vmem>>, vector<16xi32>,
    %swap3A_32 = arith.constant 240 : index
    %swap3A_33 = tpu.vector_load %arg6[%swap3A_32] {strides = array<i32>} : memref<1024xi32, #tpu.memory_space<vmem>>, vector<16xi32>,
    tpu.vector_store %arg6[%swap3A_32], %broadcast_in_dim3A_0 {strides = array<i32>} : memref<1024xi32, #tpu.memory_space<vmem>>, vector<16xi32>,
    %swap3A_34 = arith.constant 256 : index
    %swap3A_35 = tpu.vector_load %arg6[%swap3A_34] {strides = array<i32>} : memref<1024xi32, #tpu.memory_space<vmem>>, vector<16xi32>,
    tpu.vector_store %arg6[%swap3A_34], %broadcast_in_dim3A_0 {strides = array<i32>} : memref<1024xi32, #tpu.memory_space<vmem>>, vector<16xi32>,
    %swap3A_36 = arith.constant 272 : index
    %swap3A_37 = tpu.vector_load %arg6[%swap3A_36] {strides = array<i32>} : memref<1024xi32, #tpu.memory_space<vmem>>, vector<16xi32>,
    tpu.vector_store %arg6[%swap3A_36], %broadcast_in_dim3A_0 {strides = array<i32>} : memref<1024xi32, #tpu.memory_space<vmem>>, vector<16xi32>,
    %swap3A_38 = arith.constant 288 : index
    %swap3A_39 = tpu.vector_load %arg6[%swap3A_38] {strides = array<i32>} : memref<1024xi32, #tpu.memory_space<vmem>>, vector<16xi32>,
    tpu.vector_store %arg6[%swap3A_38], %broadcast_in_dim3A_0 {strides = array<i32>} : memref<1024xi32, #tpu.memory_space<vmem>>, vector<16xi32>,
    %swap3A_40 = arith.constant 304 : index
    %swap3A_41 = tpu.vector_load %arg6[%swap3A_40] {strides = array<i32>} : memref<1024xi32, #tpu.memory_space<vmem>>, vector<16xi32>,
    tpu.vector_store %arg6[%swap3A_40], %broadcast_in_dim3A_0 {strides = array<i32>} : memref<1024xi32, #tpu.memory_space<vmem>>, vector<16xi32>,
    %swap3A_42 = arith.constant 320 : index
    %swap3A_43 = tpu.vector_load %arg6[%swap3A_42] {strides = array<i32>} : memref<1024xi32, #tpu.memory_space<vmem>>, vector<16xi32>,
    tpu.vector_store %arg6[%swap3A_42], %broadcast_in_dim3A_0 {strides = array<i32>} : memref<1024xi32, #tpu.memory_space<vmem>>, vector<16xi32>,
    %swap3A_44 = arith.constant 336 : index
    %swap3A_45 = tpu.vector_load %arg6[%swap3A_44] {strides = array<i32>} : memref<1024xi32, #tpu.memory_space<vmem>>, vector<16xi32>,
    tpu.vector_store %arg6[%swap3A_44], %broadcast_in_dim3A_0 {strides = array<i32>} : memref<1024xi32, #tpu.memory_space<vmem>>, vector<16xi32>,
    %swap3A_46 = arith.constant 352 : index
    %swap3A_47 = tpu.vector_load %arg6[%swap3A_46] {strides = array<i32>} : memref<1024xi32, #tpu.memory_space<vmem>>, vector<16xi32>,
    tpu.vector_store %arg6[%swap3A_46], %broadcast_in_dim3A_0 {strides = array<i32>} : memref<1024xi32, #tpu.memory_space<vmem>>, vector<16xi32>,
    %swap3A_48 = arith.constant 368 : index
    %swap3A_49 = tpu.vector_load %arg6[%swap3A_48] {strides = array<i32>} : memref<1024xi32, #tpu.memory_space<vmem>>, vector<16xi32>,
    tpu.vector_store %arg6[%swap3A_48], %broadcast_in_dim3A_0 {strides = array<i32>} : memref<1024xi32, #tpu.memory_space<vmem>>, vector<16xi32>,
    %swap3A_50 = arith.constant 384 : index
    %swap3A_51 = tpu.vector_load %arg6[%swap3A_50] {strides = array<i32>} : memref<1024xi32, #tpu.memory_space<vmem>>, vector<16xi32>,
    tpu.vector_store %arg6[%swap3A_50], %broadcast_in_dim3A_0 {strides = array<i32>} : memref<1024xi32, #tpu.memory_space<vmem>>, vector<16xi32>,
    %swap3A_52 = arith.constant 400 : index
    %swap3A_53 = tpu.vector_load %arg6[%swap3A_52] {strides = array<i32>} : memref<1024xi32, #tpu.memory_space<vmem>>, vector<16xi32>,
    tpu.vector_store %arg6[%swap3A_52], %broadcast_in_dim3A_0 {strides = array<i32>} : memref<1024xi32, #tpu.memory_space<vmem>>, vector<16xi32>,
    %swap3A_54 = arith.constant 416 : index
    %swap3A_55 = tpu.vector_load %arg6[%swap3A_54] {strides = array<i32>} : memref<1024xi32, #tpu.memory_space<vmem>>, vector<16xi32>,
    tpu.vector_store %arg6[%swap3A_54], %broadcast_in_dim3A_0 {strides = array<i32>} : memref<1024xi32, #tpu.memory_space<vmem>>, vector<16xi32>,
    %swap3A_56 = arith.constant 432 : index
    %swap3A_57 = tpu.vector_load %arg6[%swap3A_56] {strides = array<i32>} : memref<1024xi32, #tpu.memory_space<vmem>>, vector<16xi32>,
    tpu.vector_store %arg6[%swap3A_56], %broadcast_in_dim3A_0 {strides = array<i32>} : memref<1024xi32, #tpu.memory_space<vmem>>, vector<16xi32>,
    %swap3A_58 = arith.constant 448 : index
    %swap3A_59 = tpu.vector_load %arg6[%swap3A_58] {strides = array<i32>} : memref<1024xi32, #tpu.memory_space<vmem>>, vector<16xi32>,
    tpu.vector_store %arg6[%swap3A_58], %broadcast_in_dim3A_0 {strides = array<i32>} : memref<1024xi32, #tpu.memory_space<vmem>>, vector<16xi32>,
    %swap3A_60 = arith.constant 464 : index
    %swap3A_61 = tpu.vector_load %arg6[%swap3A_60] {strides = array<i32>} : memref<1024xi32, #tpu.memory_space<vmem>>, vector<16xi32>,
    tpu.vector_store %arg6[%swap3A_60], %broadcast_in_dim3A_0 {strides = array<i32>} : memref<1024xi32, #tpu.memory_space<vmem>>, vector<16xi32>,
    %swap3A_62 = arith.constant 480 : index
    %swap3A_63 = tpu.vector_load %arg6[%swap3A_62] {strides = array<i32>} : memref<1024xi32, #tpu.memory_space<vmem>>, vector<16xi32>,
    tpu.vector_store %arg6[%swap3A_62], %broadcast_in_dim3A_0 {strides = array<i32>} : memref<1024xi32, #tpu.memory_space<vmem>>, vector<16xi32>,
    %swap3A_64 = arith.constant 496 : index
    %swap3A_65 = tpu.vector_load %arg6[%swap3A_64] {strides = array<i32>} : memref<1024xi32, #tpu.memory_space<vmem>>, vector<16xi32>,
    tpu.vector_store %arg6[%swap3A_64], %broadcast_in_dim3A_0 {strides = array<i32>} : memref<1024xi32, #tpu.memory_space<vmem>>, vector<16xi32>,
    %swap3A_66 = arith.constant 512 : index
    %swap3A_67 = tpu.vector_load %arg6[%swap3A_66] {strides = array<i32>} : memref<1024xi32, #tpu.memory_space<vmem>>, vector<16xi32>,
    tpu.vector_store %arg6[%swap3A_66], %broadcast_in_dim3A_0 {strides = array<i32>} : memref<1024xi32, #tpu.memory_space<vmem>>, vector<16xi32>,
    %swap3A_68 = arith.constant 528 : index
    %swap3A_69 = tpu.vector_load %arg6[%swap3A_68] {strides = array<i32>} : memref<1024xi32, #tpu.memory_space<vmem>>, vector<16xi32>,
    tpu.vector_store %arg6[%swap3A_68], %broadcast_in_dim3A_0 {strides = array<i32>} : memref<1024xi32, #tpu.memory_space<vmem>>, vector<16xi32>,
    %swap3A_70 = arith.constant 544 : index
    %swap3A_71 = tpu.vector_load %arg6[%swap3A_70] {strides = array<i32>} : memref<1024xi32, #tpu.memory_space<vmem>>, vector<16xi32>,
    tpu.vector_store %arg6[%swap3A_70], %broadcast_in_dim3A_0 {strides = array<i32>} : memref<1024xi32, #tpu.memory_space<vmem>>, vector<16xi32>,
    %swap3A_72 = arith.constant 560 : index
    %swap3A_73 = tpu.vector_load %arg6[%swap3A_72] {strides = array<i32>} : memref<1024xi32, #tpu.memory_space<vmem>>, vector<16xi32>,
    tpu.vector_store %arg6[%swap3A_72], %broadcast_in_dim3A_0 {strides = array<i32>} : memref<1024xi32, #tpu.memory_space<vmem>>, vector<16xi32>,
    %swap3A_74 = arith.constant 576 : index
    %swap3A_75 = tpu.vector_load %arg6[%swap3A_74] {strides = array<i32>} : memref<1024xi32, #tpu.memory_space<vmem>>, vector<16xi32>,
    tpu.vector_store %arg6[%swap3A_74], %broadcast_in_dim3A_0 {strides = array<i32>} : memref<1024xi32, #tpu.memory_space<vmem>>, vector<16xi32>,
    %swap3A_76 = arith.constant 592 : index
    %swap3A_77 = tpu.vector_load %arg6[%swap3A_76] {strides = array<i32>} : memref<1024xi32, #tpu.memory_space<vmem>>, vector<16xi32>,
    tpu.vector_store %arg6[%swap3A_76], %broadcast_in_dim3A_0 {strides = array<i32>} : memref<1024xi32, #tpu.memory_space<vmem>>, vector<16xi32>,
    %swap3A_78 = arith.constant 608 : index
    %swap3A_79 = tpu.vector_load %arg6[%swap3A_78] {strides = array<i32>} : memref<1024xi32, #tpu.memory_space<vmem>>, vector<16xi32>,
    tpu.vector_store %arg6[%swap3A_78], %broadcast_in_dim3A_0 {strides = array<i32>} : memref<1024xi32, #tpu.memory_space<vmem>>, vector<16xi32>,
    %swap3A_80 = arith.constant 624 : index
    %swap3A_81 = tpu.vector_load %arg6[%swap3A_80] {strides = array<i32>} : memref<1024xi32, #tpu.memory_space<vmem>>, vector<16xi32>,
    tpu.vector_store %arg6[%swap3A_80], %broadcast_in_dim3A_0 {strides = array<i32>} : memref<1024xi32, #tpu.memory_space<vmem>>, vector<16xi32>,
    %swap3A_82 = arith.constant 640 : index
    %swap3A_83 = tpu.vector_load %arg6[%swap3A_82] {strides = array<i32>} : memref<1024xi32, #tpu.memory_space<vmem>>, vector<16xi32>,
    tpu.vector_store %arg6[%swap3A_82], %broadcast_in_dim3A_0 {strides = array<i32>} : memref<1024xi32, #tpu.memory_space<vmem>>, vector<16xi32>,
    %swap3A_84 = arith.constant 656 : index
    %swap3A_85 = tpu.vector_load %arg6[%swap3A_84] {strides = array<i32>} : memref<1024xi32, #tpu.memory_space<vmem>>, vector<16xi32>,
    tpu.vector_store %arg6[%swap3A_84], %broadcast_in_dim3A_0 {strides = array<i32>} : memref<1024xi32, #tpu.memory_space<vmem>>, vector<16xi32>,
    %swap3A_86 = arith.constant 672 : index
    %swap3A_87 = tpu.vector_load %arg6[%swap3A_86] {strides = array<i32>} : memref<1024xi32, #tpu.memory_space<vmem>>, vector<16xi32>,
    tpu.vector_store %arg6[%swap3A_86], %broadcast_in_dim3A_0 {strides = array<i32>} : memref<1024xi32, #tpu.memory_space<vmem>>, vector<16xi32>,
    %swap3A_88 = arith.constant 688 : index
    %swap3A_89 = tpu.vector_load %arg6[%swap3A_88] {strides = array<i32>} : memref<1024xi32, #tpu.memory_space<vmem>>, vector<16xi32>,
    tpu.vector_store %arg6[%swap3A_88], %broadcast_in_dim3A_0 {strides = array<i32>} : memref<1024xi32, #tpu.memory_space<vmem>>, vector<16xi32>,
    %swap3A_90 = arith.constant 704 : index
    %swap3A_91 = tpu.vector_load %arg6[%swap3A_90] {strides = array<i32>} : memref<1024xi32, #tpu.memory_space<vmem>>, vector<16xi32>,
    tpu.vector_store %arg6[%swap3A_90], %broadcast_in_dim3A_0 {strides = array<i32>} : memref<1024xi32, #tpu.memory_space<vmem>>, vector<16xi32>,
    %swap3A_92 = arith.constant 720 : index
    %swap3A_93 = tpu.vector_load %arg6[%swap3A_92] {strides = array<i32>} : memref<1024xi32, #tpu.memory_space<vmem>>, vector<16xi32>,
    tpu.vector_store %arg6[%swap3A_92], %broadcast_in_dim3A_0 {strides = array<i32>} : memref<1024xi32, #tpu.memory_space<vmem>>, vector<16xi32>,
    %swap3A_94 = arith.constant 736 : index
    %swap3A_95 = tpu.vector_load %arg6[%swap3A_94] {strides = array<i32>} : memref<1024xi32, #tpu.memory_space<vmem>>, vector<16xi32>,
    tpu.vector_store %arg6[%swap3A_94], %broadcast_in_dim3A_0 {strides = array<i32>} : memref<1024xi32, #tpu.memory_space<vmem>>, vector<16xi32>,
    %swap3A_96 = arith.constant 752 : index
    %swap3A_97 = tpu.vector_load %arg6[%swap3A_96] {strides = array<i32>} : memref<1024xi32, #tpu.memory_space<vmem>>, vector<16xi32>,
    tpu.vector_store %arg6[%swap3A_96], %broadcast_in_dim3A_0 {strides = array<i32>} : memref<1024xi32, #tpu.memory_space<vmem>>, vector<16xi32>,
    %swap3A_98 = arith.constant 768 : index
    %swap3A_99 = tpu.vector_load %arg6[%swap3A_98] {strides = array<i32>} : memref<1024xi32, #tpu.memory_space<vmem>>, vector<16xi32>,
    tpu.vector_store %arg6[%swap3A_98], %broadcast_in_dim3A_0 {strides = array<i32>} : memref<1024xi32, #tpu.memory_space<vmem>>, vector<16xi32>,
    %swap3A_100 = arith.constant 784 : index
    %swap3A_101 = tpu.vector_load %arg6[%swap3A_100] {strides = array<i32>} : memref<1024xi32, #tpu.memory_space<vmem>>, vector<16xi32>,
    tpu.vector_store %arg6[%swap3A_100], %broadcast_in_dim3A_0 {strides = array<i32>} : memref<1024xi32, #tpu.memory_space<vmem>>, vector<16xi32>,
    %swap3A_102 = arith.constant 800 : index
    %swap3A_103 = tpu.vector_load %arg6[%swap3A_102] {strides = array<i32>} : memref<1024xi32, #tpu.memory_space<vmem>>, vector<16xi32>,
    tpu.vector_store %arg6[%swap3A_102], %broadcast_in_dim3A_0 {strides = array<i32>} : memref<1024xi32, #tpu.memory_space<vmem>>, vector<16xi32>,
    %swap3A_104 = arith.constant 816 : index
    %swap3A_105 = tpu.vector_load %arg6[%swap3A_104] {strides = array<i32>} : memref<1024xi32, #tpu.memory_space<vmem>>, vector<16xi32>,
    tpu.vector_store %arg6[%swap3A_104], %broadcast_in_dim3A_0 {strides = array<i32>} : memref<1024xi32, #tpu.memory_space<vmem>>, vector<16xi32>,
    %swap3A_106 = arith.constant 832 : index
    %swap3A_107 = tpu.vector_load %arg6[%swap3A_106] {strides = array<i32>} : memref<1024xi32, #tpu.memory_space<vmem>>, vector<16xi32>,
    tpu.vector_store %arg6[%swap3A_106], %broadcast_in_dim3A_0 {strides = array<i32>} : memref<1024xi32, #tpu.memory_space<vmem>>, vector<16xi32>,
    %swap3A_108 = arith.constant 848 : index
    %swap3A_109 = tpu.vector_load %arg6[%swap3A_108] {strides = array<i32>} : memref<1024xi32, #tpu.memory_space<vmem>>, vector<16xi32>,
    tpu.vector_store %arg6[%swap3A_108], %broadcast_in_dim3A_0 {strides = array<i32>} : memref<1024xi32, #tpu.memory_space<vmem>>, vector<16xi32>,
    %swap3A_110 = arith.constant 864 : index
    %swap3A_111 = tpu.vector_load %arg6[%swap3A_110] {strides = array<i32>} : memref<1024xi32, #tpu.memory_space<vmem>>, vector<16xi32>,
    tpu.vector_store %arg6[%swap3A_110], %broadcast_in_dim3A_0 {strides = array<i32>} : memref<1024xi32, #tpu.memory_space<vmem>>, vector<16xi32>,
    %swap3A_112 = arith.constant 880 : index
    %swap3A_113 = tpu.vector_load %arg6[%swap3A_112] {strides = array<i32>} : memref<1024xi32, #tpu.memory_space<vmem>>, vector<16xi32>,
    tpu.vector_store %arg6[%swap3A_112], %broadcast_in_dim3A_0 {strides = array<i32>} : memref<1024xi32, #tpu.memory_space<vmem>>, vector<16xi32>,
    %swap3A_114 = arith.constant 896 : index
    %swap3A_115 = tpu.vector_load %arg6[%swap3A_114] {strides = array<i32>} : memref<1024xi32, #tpu.memory_space<vmem>>, vector<16xi32>,
    tpu.vector_store %arg6[%swap3A_114], %broadcast_in_dim3A_0 {strides = array<i32>} : memref<1024xi32, #tpu.memory_space<vmem>>, vector<16xi32>,
    %swap3A_116 = arith.constant 912 : index
    %swap3A_117 = tpu.vector_load %arg6[%swap3A_116] {strides = array<i32>} : memref<1024xi32, #tpu.memory_space<vmem>>, vector<16xi32>,
    tpu.vector_store %arg6[%swap3A_116], %broadcast_in_dim3A_0 {strides = array<i32>} : memref<1024xi32, #tpu.memory_space<vmem>>, vector<16xi32>,
    %swap3A_118 = arith.constant 928 : index
    %swap3A_119 = tpu.vector_load %arg6[%swap3A_118] {strides = array<i32>} : memref<1024xi32, #tpu.memory_space<vmem>>, vector<16xi32>,
    tpu.vector_store %arg6[%swap3A_118], %broadcast_in_dim3A_0 {strides = array<i32>} : memref<1024xi32, #tpu.memory_space<vmem>>, vector<16xi32>,
    %swap3A_120 = arith.constant 944 : index
    %swap3A_121 = tpu.vector_load %arg6[%swap3A_120] {strides = array<i32>} : memref<1024xi32, #tpu.memory_space<vmem>>, vector<16xi32>,
    tpu.vector_store %arg6[%swap3A_120], %broadcast_in_dim3A_0 {strides = array<i32>} : memref<1024xi32, #tpu.memory_space<vmem>>, vector<16xi32>,
    %swap3A_122 = arith.constant 960 : index
    %swap3A_123 = tpu.vector_load %arg6[%swap3A_122] {strides = array<i32>} : memref<1024xi32, #tpu.memory_space<vmem>>, vector<16xi32>,
    tpu.vector_store %arg6[%swap3A_122], %broadcast_in_dim3A_0 {strides = array<i32>} : memref<1024xi32, #tpu.memory_space<vmem>>, vector<16xi32>,
    %swap3A_124 = arith.constant 976 : index
    %swap3A_125 = tpu.vector_load %arg6[%swap3A_124] {strides = array<i32>} : memref<1024xi32, #tpu.memory_space<vmem>>, vector<16xi32>,
    tpu.vector_store %arg6[%swap3A_124], %broadcast_in_dim3A_0 {strides = array<i32>} : memref<1024xi32, #tpu.memory_space<vmem>>, vector<16xi32>,
    %swap3A_126 = arith.constant 992 : index
    %swap3A_127 = tpu.vector_load %arg6[%swap3A_126] {strides = array<i32>} : memref<1024xi32, #tpu.memory_space<vmem>>, vector<16xi32>,
    tpu.vector_store %arg6[%swap3A_126], %broadcast_in_dim3A_0 {strides = array<i32>} : memref<1024xi32, #tpu.memory_space<vmem>>, vector<16xi32>,
    %swap3A_128 = arith.constant 1008 : index
    %swap3A_129 = tpu.vector_load %arg6[%swap3A_128] {strides = array<i32>} : memref<1024xi32, #tpu.memory_space<vmem>>, vector<16xi32>,
    tpu.vector_store %arg6[%swap3A_128], %broadcast_in_dim3A_0 {strides = array<i32>} : memref<1024xi32, #tpu.memory_space<vmem>>, vector<16xi32>,
    %mul3A = arith.constant 2048 : i32
    %mul3A_130 = arith.muli %arg1, %mul3A : i32
    "tpu.region"() ({
      %run_scoped3A = tpu.sem_alloc : memref<!tpu.dma_semaphore, #tpu.memory_space<semaphore_mem>>
      %dma_start3A = tpu.memref_slice %arg2[%mul3A_130] : memref<32768xi32, #tpu.memory_space<hbm>> -> memref<2048xi32, #tpu.memory_space<hbm>>
      %dma_start3A_474 = tpu.memref_slice %arg2[%mul3A_130] : memref<32768xi32, #tpu.memory_space<hbm>> -> memref<2048xi32, #tpu.memory_space<hbm>>
      tpu.enqueue_dma source(%dma_start3A_474 : memref<2048xi32, #tpu.memory_space<hbm>>) target(%arg5 : memref<2048xi32, #tpu.memory_space<vmem>>) target_semaphore(%run_scoped3A : memref<!tpu.dma_semaphore, #tpu.memory_space<semaphore_mem>>)
      %dma_wait3A = tpu.memref_slice %arg2[%mul3A_130] : memref<32768xi32, #tpu.memory_space<hbm>> -> memref<2048xi32, #tpu.memory_space<hbm>>
      %dma_wait3A_475 = tpu.memref_slice %arg2[%mul3A_130] : memref<32768xi32, #tpu.memory_space<hbm>> -> memref<2048xi32, #tpu.memory_space<hbm>>
      tpu.wait_dma2 semaphore(%run_scoped3A : memref<!tpu.dma_semaphore, #tpu.memory_space<semaphore_mem>>) src(%dma_wait3A_475 : memref<2048xi32, #tpu.memory_space<hbm>>) dst(%arg5 : memref<2048xi32, #tpu.memory_space<vmem>>)
      tpu.yield
    }) : () -> ()
    %scan3A = arith.constant 0 : i32
    %scan3A_131 = arith.constant 0 : i32
    %scan3A_132 = arith.constant 128 : i32
    %scan3A_133 = arith.addi %scan3A_131, %scan3A_132 : i32
    %scan3A_134 = arith.constant 1 : i32
    scf.for %scan3A_474 = %scan3A_131 to %scan3A_133 step %scan3A_134  : i32 {
      %mul3A_475 = arith.constant 16 : i32
      %mul3A_476 = arith.muli %scan3A_474, %mul3A_475 : i32
      %get3A = arith.index_cast %mul3A_476 : i32 to index
      %get3A_477 = tpu.vector_load %arg5[%get3A] {strides = array<i32>} : memref<2048xi32, #tpu.memory_space<vmem>>, vector<16xi32>,
      %mul3A_478 = arith.constant 16 : i32
      %mul3A_479 = vector.broadcast %mul3A_478 : i32 to vector<16xi32>
      %mul3A_480 = arith.muli %get3A_477, %mul3A_479 : vector<16xi32>
      %add3A_481 = arith.addi %mul3A_480, %iota3A : vector<16xi32>
      tpu.vector_store_idx %arg6[%add3A_481], %broadcast_in_dim3A_2 {add = true} : memref<1024xi32, #tpu.memory_space<vmem>>[vector<16xi32>], vector<16xi32>,
    }
    %scan3A_135 = arith.constant 128 : i32
    %add3A = arith.constant 0 : i32
    %add3A_136 = vector.broadcast %add3A : i32 to vector<16xi32>
    %add3A_137 = arith.addi %iota3A, %add3A_136 : vector<16xi32>
    %mul3A_138 = arith.constant 16 : i32
    %mul3A_139 = vector.broadcast %mul3A_138 : i32 to vector<16xi32>
    %mul3A_140 = arith.muli %add3A_137, %mul3A_139 : vector<16xi32>
    %gather3A = tpu.vector_load_idx %arg6[%mul3A_140] : memref<1024xi32, #tpu.memory_space<vmem>>[vector<16xi32>], vector<16xi32>,
    %add3A_141 = arith.constant 1 : i32
    %add3A_142 = vector.broadcast %add3A_141 : i32 to vector<16xi32>
    %add3A_143 = arith.addi %mul3A_140, %add3A_142 : vector<16xi32>
    %gather3A_144 = tpu.vector_load_idx %arg6[%add3A_143] : memref<1024xi32, #tpu.memory_space<vmem>>[vector<16xi32>], vector<16xi32>,
    %add3A_145 = arith.addi %gather3A, %gather3A_144 : vector<16xi32>
    %add3A_146 = arith.constant 2 : i32
    %add3A_147 = vector.broadcast %add3A_146 : i32 to vector<16xi32>
    %add3A_148 = arith.addi %mul3A_140, %add3A_147 : vector<16xi32>
    %gather3A_149 = tpu.vector_load_idx %arg6[%add3A_148] : memref<1024xi32, #tpu.memory_space<vmem>>[vector<16xi32>], vector<16xi32>,
    %add3A_150 = arith.addi %add3A_145, %gather3A_149 : vector<16xi32>
    %add3A_151 = arith.constant 3 : i32
    %add3A_152 = vector.broadcast %add3A_151 : i32 to vector<16xi32>
    %add3A_153 = arith.addi %mul3A_140, %add3A_152 : vector<16xi32>
    %gather3A_154 = tpu.vector_load_idx %arg6[%add3A_153] : memref<1024xi32, #tpu.memory_space<vmem>>[vector<16xi32>], vector<16xi32>,
    %add3A_155 = arith.addi %add3A_150, %gather3A_154 : vector<16xi32>
    %add3A_156 = arith.constant 4 : i32
    %add3A_157 = vector.broadcast %add3A_156 : i32 to vector<16xi32>
    %add3A_158 = arith.addi %mul3A_140, %add3A_157 : vector<16xi32>
    %gather3A_159 = tpu.vector_load_idx %arg6[%add3A_158] : memref<1024xi32, #tpu.memory_space<vmem>>[vector<16xi32>], vector<16xi32>,
    %add3A_160 = arith.addi %add3A_155, %gather3A_159 : vector<16xi32>
    %add3A_161 = arith.constant 5 : i32
    %add3A_162 = vector.broadcast %add3A_161 : i32 to vector<16xi32>
    %add3A_163 = arith.addi %mul3A_140, %add3A_162 : vector<16xi32>
    %gather3A_164 = tpu.vector_load_idx %arg6[%add3A_163] : memref<1024xi32, #tpu.memory_space<vmem>>[vector<16xi32>], vector<16xi32>,
    %add3A_165 = arith.addi %add3A_160, %gather3A_164 : vector<16xi32>
    %add3A_166 = arith.constant 6 : i32
    %add3A_167 = vector.broadcast %add3A_166 : i32 to vector<16xi32>
    %add3A_168 = arith.addi %mul3A_140, %add3A_167 : vector<16xi32>
    %gather3A_169 = tpu.vector_load_idx %arg6[%add3A_168] : memref<1024xi32, #tpu.memory_space<vmem>>[vector<16xi32>], vector<16xi32>,
    %add3A_170 = arith.addi %add3A_165, %gather3A_169 : vector<16xi32>
    %add3A_171 = arith.constant 7 : i32
    %add3A_172 = vector.broadcast %add3A_171 : i32 to vector<16xi32>
    %add3A_173 = arith.addi %mul3A_140, %add3A_172 : vector<16xi32>
    %gather3A_174 = tpu.vector_load_idx %arg6[%add3A_173] : memref<1024xi32, #tpu.memory_space<vmem>>[vector<16xi32>], vector<16xi32>,
    %add3A_175 = arith.addi %add3A_170, %gather3A_174 : vector<16xi32>
    %add3A_176 = arith.constant 8 : i32
    %add3A_177 = vector.broadcast %add3A_176 : i32 to vector<16xi32>
    %add3A_178 = arith.addi %mul3A_140, %add3A_177 : vector<16xi32>
    %gather3A_179 = tpu.vector_load_idx %arg6[%add3A_178] : memref<1024xi32, #tpu.memory_space<vmem>>[vector<16xi32>], vector<16xi32>,
    %add3A_180 = arith.addi %add3A_175, %gather3A_179 : vector<16xi32>
    %add3A_181 = arith.constant 9 : i32
    %add3A_182 = vector.broadcast %add3A_181 : i32 to vector<16xi32>
    %add3A_183 = arith.addi %mul3A_140, %add3A_182 : vector<16xi32>
    %gather3A_184 = tpu.vector_load_idx %arg6[%add3A_183] : memref<1024xi32, #tpu.memory_space<vmem>>[vector<16xi32>], vector<16xi32>,
    %add3A_185 = arith.addi %add3A_180, %gather3A_184 : vector<16xi32>
    %add3A_186 = arith.constant 10 : i32
    %add3A_187 = vector.broadcast %add3A_186 : i32 to vector<16xi32>
    %add3A_188 = arith.addi %mul3A_140, %add3A_187 : vector<16xi32>
    %gather3A_189 = tpu.vector_load_idx %arg6[%add3A_188] : memref<1024xi32, #tpu.memory_space<vmem>>[vector<16xi32>], vector<16xi32>,
    %add3A_190 = arith.addi %add3A_185, %gather3A_189 : vector<16xi32>
    %add3A_191 = arith.constant 11 : i32
    %add3A_192 = vector.broadcast %add3A_191 : i32 to vector<16xi32>
    %add3A_193 = arith.addi %mul3A_140, %add3A_192 : vector<16xi32>
    %gather3A_194 = tpu.vector_load_idx %arg6[%add3A_193] : memref<1024xi32, #tpu.memory_space<vmem>>[vector<16xi32>], vector<16xi32>,
    %add3A_195 = arith.addi %add3A_190, %gather3A_194 : vector<16xi32>
    %add3A_196 = arith.constant 12 : i32
    %add3A_197 = vector.broadcast %add3A_196 : i32 to vector<16xi32>
    %add3A_198 = arith.addi %mul3A_140, %add3A_197 : vector<16xi32>
    %gather3A_199 = tpu.vector_load_idx %arg6[%add3A_198] : memref<1024xi32, #tpu.memory_space<vmem>>[vector<16xi32>], vector<16xi32>,
    %add3A_200 = arith.addi %add3A_195, %gather3A_199 : vector<16xi32>
    %add3A_201 = arith.constant 13 : i32
    %add3A_202 = vector.broadcast %add3A_201 : i32 to vector<16xi32>
    %add3A_203 = arith.addi %mul3A_140, %add3A_202 : vector<16xi32>
    %gather3A_204 = tpu.vector_load_idx %arg6[%add3A_203] : memref<1024xi32, #tpu.memory_space<vmem>>[vector<16xi32>], vector<16xi32>,
    %add3A_205 = arith.addi %add3A_200, %gather3A_204 : vector<16xi32>
    %add3A_206 = arith.constant 14 : i32
    %add3A_207 = vector.broadcast %add3A_206 : i32 to vector<16xi32>
    %add3A_208 = arith.addi %mul3A_140, %add3A_207 : vector<16xi32>
    %gather3A_209 = tpu.vector_load_idx %arg6[%add3A_208] : memref<1024xi32, #tpu.memory_space<vmem>>[vector<16xi32>], vector<16xi32>,
    %add3A_210 = arith.addi %add3A_205, %gather3A_209 : vector<16xi32>
    %add3A_211 = arith.constant 15 : i32
    %add3A_212 = vector.broadcast %add3A_211 : i32 to vector<16xi32>
    %add3A_213 = arith.addi %mul3A_140, %add3A_212 : vector<16xi32>
    %gather3A_214 = tpu.vector_load_idx %arg6[%add3A_213] : memref<1024xi32, #tpu.memory_space<vmem>>[vector<16xi32>], vector<16xi32>,
    %add3A_215 = arith.addi %add3A_210, %gather3A_214 : vector<16xi32>
    %swap3A_216 = arith.constant 0 : index
    %swap3A_217 = tpu.vector_load %arg7[%swap3A_216] {strides = array<i32>} : memref<64xi32, #tpu.memory_space<vmem>>, vector<16xi32>,
    tpu.vector_store %arg7[%swap3A_216], %add3A_215 {strides = array<i32>} : memref<64xi32, #tpu.memory_space<vmem>>, vector<16xi32>,
    %add3A_218 = arith.constant 16 : i32
    %add3A_219 = vector.broadcast %add3A_218 : i32 to vector<16xi32>
    %add3A_220 = arith.addi %iota3A, %add3A_219 : vector<16xi32>
    %mul3A_221 = arith.constant 16 : i32
    %mul3A_222 = vector.broadcast %mul3A_221 : i32 to vector<16xi32>
    %mul3A_223 = arith.muli %add3A_220, %mul3A_222 : vector<16xi32>
    %gather3A_224 = tpu.vector_load_idx %arg6[%mul3A_223] : memref<1024xi32, #tpu.memory_space<vmem>>[vector<16xi32>], vector<16xi32>,
    %add3A_225 = arith.constant 1 : i32
    %add3A_226 = vector.broadcast %add3A_225 : i32 to vector<16xi32>
    %add3A_227 = arith.addi %mul3A_223, %add3A_226 : vector<16xi32>
    %gather3A_228 = tpu.vector_load_idx %arg6[%add3A_227] : memref<1024xi32, #tpu.memory_space<vmem>>[vector<16xi32>], vector<16xi32>,
    %add3A_229 = arith.addi %gather3A_224, %gather3A_228 : vector<16xi32>
    %add3A_230 = arith.constant 2 : i32
    %add3A_231 = vector.broadcast %add3A_230 : i32 to vector<16xi32>
    %add3A_232 = arith.addi %mul3A_223, %add3A_231 : vector<16xi32>
    %gather3A_233 = tpu.vector_load_idx %arg6[%add3A_232] : memref<1024xi32, #tpu.memory_space<vmem>>[vector<16xi32>], vector<16xi32>,
    %add3A_234 = arith.addi %add3A_229, %gather3A_233 : vector<16xi32>
    %add3A_235 = arith.constant 3 : i32
    %add3A_236 = vector.broadcast %add3A_235 : i32 to vector<16xi32>
    %add3A_237 = arith.addi %mul3A_223, %add3A_236 : vector<16xi32>
    %gather3A_238 = tpu.vector_load_idx %arg6[%add3A_237] : memref<1024xi32, #tpu.memory_space<vmem>>[vector<16xi32>], vector<16xi32>,
    %add3A_239 = arith.addi %add3A_234, %gather3A_238 : vector<16xi32>
    %add3A_240 = arith.constant 4 : i32
    %add3A_241 = vector.broadcast %add3A_240 : i32 to vector<16xi32>
    %add3A_242 = arith.addi %mul3A_223, %add3A_241 : vector<16xi32>
    %gather3A_243 = tpu.vector_load_idx %arg6[%add3A_242] : memref<1024xi32, #tpu.memory_space<vmem>>[vector<16xi32>], vector<16xi32>,
    %add3A_244 = arith.addi %add3A_239, %gather3A_243 : vector<16xi32>
    %add3A_245 = arith.constant 5 : i32
    %add3A_246 = vector.broadcast %add3A_245 : i32 to vector<16xi32>
    %add3A_247 = arith.addi %mul3A_223, %add3A_246 : vector<16xi32>
    %gather3A_248 = tpu.vector_load_idx %arg6[%add3A_247] : memref<1024xi32, #tpu.memory_space<vmem>>[vector<16xi32>], vector<16xi32>,
    %add3A_249 = arith.addi %add3A_244, %gather3A_248 : vector<16xi32>
    %add3A_250 = arith.constant 6 : i32
    %add3A_251 = vector.broadcast %add3A_250 : i32 to vector<16xi32>
    %add3A_252 = arith.addi %mul3A_223, %add3A_251 : vector<16xi32>
    %gather3A_253 = tpu.vector_load_idx %arg6[%add3A_252] : memref<1024xi32, #tpu.memory_space<vmem>>[vector<16xi32>], vector<16xi32>,
    %add3A_254 = arith.addi %add3A_249, %gather3A_253 : vector<16xi32>
    %add3A_255 = arith.constant 7 : i32
    %add3A_256 = vector.broadcast %add3A_255 : i32 to vector<16xi32>
    %add3A_257 = arith.addi %mul3A_223, %add3A_256 : vector<16xi32>
    %gather3A_258 = tpu.vector_load_idx %arg6[%add3A_257] : memref<1024xi32, #tpu.memory_space<vmem>>[vector<16xi32>], vector<16xi32>,
    %add3A_259 = arith.addi %add3A_254, %gather3A_258 : vector<16xi32>
    %add3A_260 = arith.constant 8 : i32
    %add3A_261 = vector.broadcast %add3A_260 : i32 to vector<16xi32>
    %add3A_262 = arith.addi %mul3A_223, %add3A_261 : vector<16xi32>
    %gather3A_263 = tpu.vector_load_idx %arg6[%add3A_262] : memref<1024xi32, #tpu.memory_space<vmem>>[vector<16xi32>], vector<16xi32>,
    %add3A_264 = arith.addi %add3A_259, %gather3A_263 : vector<16xi32>
    %add3A_265 = arith.constant 9 : i32
    %add3A_266 = vector.broadcast %add3A_265 : i32 to vector<16xi32>
    %add3A_267 = arith.addi %mul3A_223, %add3A_266 : vector<16xi32>
    %gather3A_268 = tpu.vector_load_idx %arg6[%add3A_267] : memref<1024xi32, #tpu.memory_space<vmem>>[vector<16xi32>], vector<16xi32>,
    %add3A_269 = arith.addi %add3A_264, %gather3A_268 : vector<16xi32>
    %add3A_270 = arith.constant 10 : i32
    %add3A_271 = vector.broadcast %add3A_270 : i32 to vector<16xi32>
    %add3A_272 = arith.addi %mul3A_223, %add3A_271 : vector<16xi32>
    %gather3A_273 = tpu.vector_load_idx %arg6[%add3A_272] : memref<1024xi32, #tpu.memory_space<vmem>>[vector<16xi32>], vector<16xi32>,
    %add3A_274 = arith.addi %add3A_269, %gather3A_273 : vector<16xi32>
    %add3A_275 = arith.constant 11 : i32
    %add3A_276 = vector.broadcast %add3A_275 : i32 to vector<16xi32>
    %add3A_277 = arith.addi %mul3A_223, %add3A_276 : vector<16xi32>
    %gather3A_278 = tpu.vector_load_idx %arg6[%add3A_277] : memref<1024xi32, #tpu.memory_space<vmem>>[vector<16xi32>], vector<16xi32>,
    %add3A_279 = arith.addi %add3A_274, %gather3A_278 : vector<16xi32>
    %add3A_280 = arith.constant 12 : i32
    %add3A_281 = vector.broadcast %add3A_280 : i32 to vector<16xi32>
    %add3A_282 = arith.addi %mul3A_223, %add3A_281 : vector<16xi32>
    %gather3A_283 = tpu.vector_load_idx %arg6[%add3A_282] : memref<1024xi32, #tpu.memory_space<vmem>>[vector<16xi32>], vector<16xi32>,
    %add3A_284 = arith.addi %add3A_279, %gather3A_283 : vector<16xi32>
    %add3A_285 = arith.constant 13 : i32
    %add3A_286 = vector.broadcast %add3A_285 : i32 to vector<16xi32>
    %add3A_287 = arith.addi %mul3A_223, %add3A_286 : vector<16xi32>
    %gather3A_288 = tpu.vector_load_idx %arg6[%add3A_287] : memref<1024xi32, #tpu.memory_space<vmem>>[vector<16xi32>], vector<16xi32>,
    %add3A_289 = arith.addi %add3A_284, %gather3A_288 : vector<16xi32>
    %add3A_290 = arith.constant 14 : i32
    %add3A_291 = vector.broadcast %add3A_290 : i32 to vector<16xi32>
    %add3A_292 = arith.addi %mul3A_223, %add3A_291 : vector<16xi32>
    %gather3A_293 = tpu.vector_load_idx %arg6[%add3A_292] : memref<1024xi32, #tpu.memory_space<vmem>>[vector<16xi32>], vector<16xi32>,
    %add3A_294 = arith.addi %add3A_289, %gather3A_293 : vector<16xi32>
    %add3A_295 = arith.constant 15 : i32
    %add3A_296 = vector.broadcast %add3A_295 : i32 to vector<16xi32>
    %add3A_297 = arith.addi %mul3A_223, %add3A_296 : vector<16xi32>
    %gather3A_298 = tpu.vector_load_idx %arg6[%add3A_297] : memref<1024xi32, #tpu.memory_space<vmem>>[vector<16xi32>], vector<16xi32>,
    %add3A_299 = arith.addi %add3A_294, %gather3A_298 : vector<16xi32>
    %swap3A_300 = arith.constant 16 : index
    %swap3A_301 = tpu.vector_load %arg7[%swap3A_300] {strides = array<i32>} : memref<64xi32, #tpu.memory_space<vmem>>, vector<16xi32>,
    tpu.vector_store %arg7[%swap3A_300], %add3A_299 {strides = array<i32>} : memref<64xi32, #tpu.memory_space<vmem>>, vector<16xi32>,
    %add3A_302 = arith.constant 32 : i32
    %add3A_303 = vector.broadcast %add3A_302 : i32 to vector<16xi32>
    %add3A_304 = arith.addi %iota3A, %add3A_303 : vector<16xi32>
    %mul3A_305 = arith.constant 16 : i32
    %mul3A_306 = vector.broadcast %mul3A_305 : i32 to vector<16xi32>
    %mul3A_307 = arith.muli %add3A_304, %mul3A_306 : vector<16xi32>
    %gather3A_308 = tpu.vector_load_idx %arg6[%mul3A_307] : memref<1024xi32, #tpu.memory_space<vmem>>[vector<16xi32>], vector<16xi32>,
    %add3A_309 = arith.constant 1 : i32
    %add3A_310 = vector.broadcast %add3A_309 : i32 to vector<16xi32>
    %add3A_311 = arith.addi %mul3A_307, %add3A_310 : vector<16xi32>
    %gather3A_312 = tpu.vector_load_idx %arg6[%add3A_311] : memref<1024xi32, #tpu.memory_space<vmem>>[vector<16xi32>], vector<16xi32>,
    %add3A_313 = arith.addi %gather3A_308, %gather3A_312 : vector<16xi32>
    %add3A_314 = arith.constant 2 : i32
    %add3A_315 = vector.broadcast %add3A_314 : i32 to vector<16xi32>
    %add3A_316 = arith.addi %mul3A_307, %add3A_315 : vector<16xi32>
    %gather3A_317 = tpu.vector_load_idx %arg6[%add3A_316] : memref<1024xi32, #tpu.memory_space<vmem>>[vector<16xi32>], vector<16xi32>,
    %add3A_318 = arith.addi %add3A_313, %gather3A_317 : vector<16xi32>
    %add3A_319 = arith.constant 3 : i32
    %add3A_320 = vector.broadcast %add3A_319 : i32 to vector<16xi32>
    %add3A_321 = arith.addi %mul3A_307, %add3A_320 : vector<16xi32>
    %gather3A_322 = tpu.vector_load_idx %arg6[%add3A_321] : memref<1024xi32, #tpu.memory_space<vmem>>[vector<16xi32>], vector<16xi32>,
    %add3A_323 = arith.addi %add3A_318, %gather3A_322 : vector<16xi32>
    %add3A_324 = arith.constant 4 : i32
    %add3A_325 = vector.broadcast %add3A_324 : i32 to vector<16xi32>
    %add3A_326 = arith.addi %mul3A_307, %add3A_325 : vector<16xi32>
    %gather3A_327 = tpu.vector_load_idx %arg6[%add3A_326] : memref<1024xi32, #tpu.memory_space<vmem>>[vector<16xi32>], vector<16xi32>,
    %add3A_328 = arith.addi %add3A_323, %gather3A_327 : vector<16xi32>
    %add3A_329 = arith.constant 5 : i32
    %add3A_330 = vector.broadcast %add3A_329 : i32 to vector<16xi32>
    %add3A_331 = arith.addi %mul3A_307, %add3A_330 : vector<16xi32>
    %gather3A_332 = tpu.vector_load_idx %arg6[%add3A_331] : memref<1024xi32, #tpu.memory_space<vmem>>[vector<16xi32>], vector<16xi32>,
    %add3A_333 = arith.addi %add3A_328, %gather3A_332 : vector<16xi32>
    %add3A_334 = arith.constant 6 : i32
    %add3A_335 = vector.broadcast %add3A_334 : i32 to vector<16xi32>
    %add3A_336 = arith.addi %mul3A_307, %add3A_335 : vector<16xi32>
    %gather3A_337 = tpu.vector_load_idx %arg6[%add3A_336] : memref<1024xi32, #tpu.memory_space<vmem>>[vector<16xi32>], vector<16xi32>,
    %add3A_338 = arith.addi %add3A_333, %gather3A_337 : vector<16xi32>
    %add3A_339 = arith.constant 7 : i32
    %add3A_340 = vector.broadcast %add3A_339 : i32 to vector<16xi32>
    %add3A_341 = arith.addi %mul3A_307, %add3A_340 : vector<16xi32>
    %gather3A_342 = tpu.vector_load_idx %arg6[%add3A_341] : memref<1024xi32, #tpu.memory_space<vmem>>[vector<16xi32>], vector<16xi32>,
    %add3A_343 = arith.addi %add3A_338, %gather3A_342 : vector<16xi32>
    %add3A_344 = arith.constant 8 : i32
    %add3A_345 = vector.broadcast %add3A_344 : i32 to vector<16xi32>
    %add3A_346 = arith.addi %mul3A_307, %add3A_345 : vector<16xi32>
    %gather3A_347 = tpu.vector_load_idx %arg6[%add3A_346] : memref<1024xi32, #tpu.memory_space<vmem>>[vector<16xi32>], vector<16xi32>,
    %add3A_348 = arith.addi %add3A_343, %gather3A_347 : vector<16xi32>
    %add3A_349 = arith.constant 9 : i32
    %add3A_350 = vector.broadcast %add3A_349 : i32 to vector<16xi32>
    %add3A_351 = arith.addi %mul3A_307, %add3A_350 : vector<16xi32>
    %gather3A_352 = tpu.vector_load_idx %arg6[%add3A_351] : memref<1024xi32, #tpu.memory_space<vmem>>[vector<16xi32>], vector<16xi32>,
    %add3A_353 = arith.addi %add3A_348, %gather3A_352 : vector<16xi32>
    %add3A_354 = arith.constant 10 : i32
    %add3A_355 = vector.broadcast %add3A_354 : i32 to vector<16xi32>
    %add3A_356 = arith.addi %mul3A_307, %add3A_355 : vector<16xi32>
    %gather3A_357 = tpu.vector_load_idx %arg6[%add3A_356] : memref<1024xi32, #tpu.memory_space<vmem>>[vector<16xi32>], vector<16xi32>,
    %add3A_358 = arith.addi %add3A_353, %gather3A_357 : vector<16xi32>
    %add3A_359 = arith.constant 11 : i32
    %add3A_360 = vector.broadcast %add3A_359 : i32 to vector<16xi32>
    %add3A_361 = arith.addi %mul3A_307, %add3A_360 : vector<16xi32>
    %gather3A_362 = tpu.vector_load_idx %arg6[%add3A_361] : memref<1024xi32, #tpu.memory_space<vmem>>[vector<16xi32>], vector<16xi32>,
    %add3A_363 = arith.addi %add3A_358, %gather3A_362 : vector<16xi32>
    %add3A_364 = arith.constant 12 : i32
    %add3A_365 = vector.broadcast %add3A_364 : i32 to vector<16xi32>
    %add3A_366 = arith.addi %mul3A_307, %add3A_365 : vector<16xi32>
    %gather3A_367 = tpu.vector_load_idx %arg6[%add3A_366] : memref<1024xi32, #tpu.memory_space<vmem>>[vector<16xi32>], vector<16xi32>,
    %add3A_368 = arith.addi %add3A_363, %gather3A_367 : vector<16xi32>
    %add3A_369 = arith.constant 13 : i32
    %add3A_370 = vector.broadcast %add3A_369 : i32 to vector<16xi32>
    %add3A_371 = arith.addi %mul3A_307, %add3A_370 : vector<16xi32>
    %gather3A_372 = tpu.vector_load_idx %arg6[%add3A_371] : memref<1024xi32, #tpu.memory_space<vmem>>[vector<16xi32>], vector<16xi32>,
    %add3A_373 = arith.addi %add3A_368, %gather3A_372 : vector<16xi32>
    %add3A_374 = arith.constant 14 : i32
    %add3A_375 = vector.broadcast %add3A_374 : i32 to vector<16xi32>
    %add3A_376 = arith.addi %mul3A_307, %add3A_375 : vector<16xi32>
    %gather3A_377 = tpu.vector_load_idx %arg6[%add3A_376] : memref<1024xi32, #tpu.memory_space<vmem>>[vector<16xi32>], vector<16xi32>,
    %add3A_378 = arith.addi %add3A_373, %gather3A_377 : vector<16xi32>
    %add3A_379 = arith.constant 15 : i32
    %add3A_380 = vector.broadcast %add3A_379 : i32 to vector<16xi32>
    %add3A_381 = arith.addi %mul3A_307, %add3A_380 : vector<16xi32>
    %gather3A_382 = tpu.vector_load_idx %arg6[%add3A_381] : memref<1024xi32, #tpu.memory_space<vmem>>[vector<16xi32>], vector<16xi32>,
    %add3A_383 = arith.addi %add3A_378, %gather3A_382 : vector<16xi32>
    %swap3A_384 = arith.constant 32 : index
    %swap3A_385 = tpu.vector_load %arg7[%swap3A_384] {strides = array<i32>} : memref<64xi32, #tpu.memory_space<vmem>>, vector<16xi32>,
    tpu.vector_store %arg7[%swap3A_384], %add3A_383 {strides = array<i32>} : memref<64xi32, #tpu.memory_space<vmem>>, vector<16xi32>,
    %add3A_386 = arith.constant 48 : i32
    %add3A_387 = vector.broadcast %add3A_386 : i32 to vector<16xi32>
    %add3A_388 = arith.addi %iota3A, %add3A_387 : vector<16xi32>
    %mul3A_389 = arith.constant 16 : i32
    %mul3A_390 = vector.broadcast %mul3A_389 : i32 to vector<16xi32>
    %mul3A_391 = arith.muli %add3A_388, %mul3A_390 : vector<16xi32>
    %gather3A_392 = tpu.vector_load_idx %arg6[%mul3A_391] : memref<1024xi32, #tpu.memory_space<vmem>>[vector<16xi32>], vector<16xi32>,
    %add3A_393 = arith.constant 1 : i32
    %add3A_394 = vector.broadcast %add3A_393 : i32 to vector<16xi32>
    %add3A_395 = arith.addi %mul3A_391, %add3A_394 : vector<16xi32>
    %gather3A_396 = tpu.vector_load_idx %arg6[%add3A_395] : memref<1024xi32, #tpu.memory_space<vmem>>[vector<16xi32>], vector<16xi32>,
    %add3A_397 = arith.addi %gather3A_392, %gather3A_396 : vector<16xi32>
    %add3A_398 = arith.constant 2 : i32
    %add3A_399 = vector.broadcast %add3A_398 : i32 to vector<16xi32>
    %add3A_400 = arith.addi %mul3A_391, %add3A_399 : vector<16xi32>
    %gather3A_401 = tpu.vector_load_idx %arg6[%add3A_400] : memref<1024xi32, #tpu.memory_space<vmem>>[vector<16xi32>], vector<16xi32>,
    %add3A_402 = arith.addi %add3A_397, %gather3A_401 : vector<16xi32>
    %add3A_403 = arith.constant 3 : i32
    %add3A_404 = vector.broadcast %add3A_403 : i32 to vector<16xi32>
    %add3A_405 = arith.addi %mul3A_391, %add3A_404 : vector<16xi32>
    %gather3A_406 = tpu.vector_load_idx %arg6[%add3A_405] : memref<1024xi32, #tpu.memory_space<vmem>>[vector<16xi32>], vector<16xi32>,
    %add3A_407 = arith.addi %add3A_402, %gather3A_406 : vector<16xi32>
    %add3A_408 = arith.constant 4 : i32
    %add3A_409 = vector.broadcast %add3A_408 : i32 to vector<16xi32>
    %add3A_410 = arith.addi %mul3A_391, %add3A_409 : vector<16xi32>
    %gather3A_411 = tpu.vector_load_idx %arg6[%add3A_410] : memref<1024xi32, #tpu.memory_space<vmem>>[vector<16xi32>], vector<16xi32>,
    %add3A_412 = arith.addi %add3A_407, %gather3A_411 : vector<16xi32>
    %add3A_413 = arith.constant 5 : i32
    %add3A_414 = vector.broadcast %add3A_413 : i32 to vector<16xi32>
    %add3A_415 = arith.addi %mul3A_391, %add3A_414 : vector<16xi32>
    %gather3A_416 = tpu.vector_load_idx %arg6[%add3A_415] : memref<1024xi32, #tpu.memory_space<vmem>>[vector<16xi32>], vector<16xi32>,
    %add3A_417 = arith.addi %add3A_412, %gather3A_416 : vector<16xi32>
    %add3A_418 = arith.constant 6 : i32
    %add3A_419 = vector.broadcast %add3A_418 : i32 to vector<16xi32>
    %add3A_420 = arith.addi %mul3A_391, %add3A_419 : vector<16xi32>
    %gather3A_421 = tpu.vector_load_idx %arg6[%add3A_420] : memref<1024xi32, #tpu.memory_space<vmem>>[vector<16xi32>], vector<16xi32>,
    %add3A_422 = arith.addi %add3A_417, %gather3A_421 : vector<16xi32>
    %add3A_423 = arith.constant 7 : i32
    %add3A_424 = vector.broadcast %add3A_423 : i32 to vector<16xi32>
    %add3A_425 = arith.addi %mul3A_391, %add3A_424 : vector<16xi32>
    %gather3A_426 = tpu.vector_load_idx %arg6[%add3A_425] : memref<1024xi32, #tpu.memory_space<vmem>>[vector<16xi32>], vector<16xi32>,
    %add3A_427 = arith.addi %add3A_422, %gather3A_426 : vector<16xi32>
    %add3A_428 = arith.constant 8 : i32
    %add3A_429 = vector.broadcast %add3A_428 : i32 to vector<16xi32>
    %add3A_430 = arith.addi %mul3A_391, %add3A_429 : vector<16xi32>
    %gather3A_431 = tpu.vector_load_idx %arg6[%add3A_430] : memref<1024xi32, #tpu.memory_space<vmem>>[vector<16xi32>], vector<16xi32>,
    %add3A_432 = arith.addi %add3A_427, %gather3A_431 : vector<16xi32>
    %add3A_433 = arith.constant 9 : i32
    %add3A_434 = vector.broadcast %add3A_433 : i32 to vector<16xi32>
    %add3A_435 = arith.addi %mul3A_391, %add3A_434 : vector<16xi32>
    %gather3A_436 = tpu.vector_load_idx %arg6[%add3A_435] : memref<1024xi32, #tpu.memory_space<vmem>>[vector<16xi32>], vector<16xi32>,
    %add3A_437 = arith.addi %add3A_432, %gather3A_436 : vector<16xi32>
    %add3A_438 = arith.constant 10 : i32
    %add3A_439 = vector.broadcast %add3A_438 : i32 to vector<16xi32>
    %add3A_440 = arith.addi %mul3A_391, %add3A_439 : vector<16xi32>
    %gather3A_441 = tpu.vector_load_idx %arg6[%add3A_440] : memref<1024xi32, #tpu.memory_space<vmem>>[vector<16xi32>], vector<16xi32>,
    %add3A_442 = arith.addi %add3A_437, %gather3A_441 : vector<16xi32>
    %add3A_443 = arith.constant 11 : i32
    %add3A_444 = vector.broadcast %add3A_443 : i32 to vector<16xi32>
    %add3A_445 = arith.addi %mul3A_391, %add3A_444 : vector<16xi32>
    %gather3A_446 = tpu.vector_load_idx %arg6[%add3A_445] : memref<1024xi32, #tpu.memory_space<vmem>>[vector<16xi32>], vector<16xi32>,
    %add3A_447 = arith.addi %add3A_442, %gather3A_446 : vector<16xi32>
    %add3A_448 = arith.constant 12 : i32
    %add3A_449 = vector.broadcast %add3A_448 : i32 to vector<16xi32>
    %add3A_450 = arith.addi %mul3A_391, %add3A_449 : vector<16xi32>
    %gather3A_451 = tpu.vector_load_idx %arg6[%add3A_450] : memref<1024xi32, #tpu.memory_space<vmem>>[vector<16xi32>], vector<16xi32>,
    %add3A_452 = arith.addi %add3A_447, %gather3A_451 : vector<16xi32>
    %add3A_453 = arith.constant 13 : i32
    %add3A_454 = vector.broadcast %add3A_453 : i32 to vector<16xi32>
    %add3A_455 = arith.addi %mul3A_391, %add3A_454 : vector<16xi32>
    %gather3A_456 = tpu.vector_load_idx %arg6[%add3A_455] : memref<1024xi32, #tpu.memory_space<vmem>>[vector<16xi32>], vector<16xi32>,
    %add3A_457 = arith.addi %add3A_452, %gather3A_456 : vector<16xi32>
    %add3A_458 = arith.constant 14 : i32
    %add3A_459 = vector.broadcast %add3A_458 : i32 to vector<16xi32>
    %add3A_460 = arith.addi %mul3A_391, %add3A_459 : vector<16xi32>
    %gather3A_461 = tpu.vector_load_idx %arg6[%add3A_460] : memref<1024xi32, #tpu.memory_space<vmem>>[vector<16xi32>], vector<16xi32>,
    %add3A_462 = arith.addi %add3A_457, %gather3A_461 : vector<16xi32>
    %add3A_463 = arith.constant 15 : i32
    %add3A_464 = vector.broadcast %add3A_463 : i32 to vector<16xi32>
    %add3A_465 = arith.addi %mul3A_391, %add3A_464 : vector<16xi32>
    %gather3A_466 = tpu.vector_load_idx %arg6[%add3A_465] : memref<1024xi32, #tpu.memory_space<vmem>>[vector<16xi32>], vector<16xi32>,
    %add3A_467 = arith.addi %add3A_462, %gather3A_466 : vector<16xi32>
    %swap3A_468 = arith.constant 48 : index
    %swap3A_469 = tpu.vector_load %arg7[%swap3A_468] {strides = array<i32>} : memref<64xi32, #tpu.memory_space<vmem>>, vector<16xi32>,
    tpu.vector_store %arg7[%swap3A_468], %add3A_467 {strides = array<i32>} : memref<64xi32, #tpu.memory_space<vmem>>, vector<16xi32>,
    %mul3A_470 = arith.constant 64 : i32
    %mul3A_471 = arith.muli %arg1, %mul3A_470 : i32
    "tpu.region"() ({
      %run_scoped3A = tpu.sem_alloc : memref<!tpu.dma_semaphore, #tpu.memory_space<semaphore_mem>>
      %dma_start3A = tpu.memref_slice %arg10[%mul3A_471] : memref<1024xi32, #tpu.memory_space<vmem_shared>> -> memref<64xi32, #tpu.memory_space<vmem_shared>>
      %dma_start3A_474 = tpu.memref_slice %arg10[%mul3A_471] : memref<1024xi32, #tpu.memory_space<vmem_shared>> -> memref<64xi32, #tpu.memory_space<vmem_shared>>
      tpu.enqueue_dma source(%arg7 : memref<64xi32, #tpu.memory_space<vmem>>) target(%dma_start3A_474 : memref<64xi32, #tpu.memory_space<vmem_shared>>) target_semaphore(%run_scoped3A : memref<!tpu.dma_semaphore, #tpu.memory_space<semaphore_mem>>)
      %dma_wait3A = tpu.memref_slice %arg10[%mul3A_471] : memref<1024xi32, #tpu.memory_space<vmem_shared>> -> memref<64xi32, #tpu.memory_space<vmem_shared>>
      %dma_wait3A_475 = tpu.memref_slice %arg10[%mul3A_471] : memref<1024xi32, #tpu.memory_space<vmem_shared>> -> memref<64xi32, #tpu.memory_space<vmem_shared>>
      tpu.wait_dma2 semaphore(%run_scoped3A : memref<!tpu.dma_semaphore, #tpu.memory_space<semaphore_mem>>) src(%arg7 : memref<64xi32, #tpu.memory_space<vmem>>) dst(%dma_wait3A_475 : memref<64xi32, #tpu.memory_space<vmem_shared>>)
      tpu.yield
    }) : () -> ()
    %barrier3A = arith.constant 0 : index
    tpu.barrier barrier_id(%barrier3A)
    %eq3A = arith.constant 0 : i32
    %eq3A_472 = arith.cmpi eq, %arg1, %eq3A : i32
    %convert_element_type3A = arith.extui %eq3A_472 : i1 to i32
    %cond3A = arith.constant 0 : i32
    %cond3A_473 = arith.cmpi ne, %convert_element_type3A, %cond3A : i32
    scf.if %cond3A_473 {
      "tpu.region"() ({
        %run_scoped3A = tpu.sem_alloc : memref<!tpu.dma_semaphore, #tpu.memory_space<semaphore_mem>>
        tpu.enqueue_dma source(%arg3 : memref<16xi32, #tpu.memory_space<hbm>>) target(%arg9 : memref<16xi32, #tpu.memory_space<vmem>>) target_semaphore(%run_scoped3A : memref<!tpu.dma_semaphore, #tpu.memory_space<semaphore_mem>>)
        tpu.wait_dma2 semaphore(%run_scoped3A : memref<!tpu.dma_semaphore, #tpu.memory_space<semaphore_mem>>) src(%arg3 : memref<16xi32, #tpu.memory_space<hbm>>) dst(%arg9 : memref<16xi32, #tpu.memory_space<vmem>>)
        tpu.yield
      }) : () -> ()
      "tpu.region"() ({
        %run_scoped3A = tpu.sem_alloc : memref<!tpu.dma_semaphore, #tpu.memory_space<semaphore_mem>>
        tpu.enqueue_dma source(%arg10 : memref<1024xi32, #tpu.memory_space<vmem_shared>>) target(%arg8 : memref<1024xi32, #tpu.memory_space<vmem>>) target_semaphore(%run_scoped3A : memref<!tpu.dma_semaphore, #tpu.memory_space<semaphore_mem>>)
        tpu.wait_dma2 semaphore(%run_scoped3A : memref<!tpu.dma_semaphore, #tpu.memory_space<semaphore_mem>>) src(%arg10 : memref<1024xi32, #tpu.memory_space<vmem_shared>>) dst(%arg8 : memref<1024xi32, #tpu.memory_space<vmem>>)
        tpu.yield
      }) : () -> ()
      %get3A = arith.constant 0 : index
      %get3A_474 = tpu.vector_load %arg9[%get3A] {strides = array<i32>} : memref<16xi32, #tpu.memory_space<vmem>>, vector<16xi32>,
      %get3A_475 = arith.constant 0 : index
      %get3A_476 = tpu.vector_load %arg8[%get3A_475] {strides = array<i32>} : memref<1024xi32, #tpu.memory_space<vmem>>, vector<16xi32>,
      %get3A_477 = arith.constant 64 : index
      %get3A_478 = tpu.vector_load %arg8[%get3A_477] {strides = array<i32>} : memref<1024xi32, #tpu.memory_space<vmem>>, vector<16xi32>,
      %add3A_479 = arith.addi %get3A_476, %get3A_478 : vector<16xi32>
      %get3A_480 = arith.constant 128 : index
      %get3A_481 = tpu.vector_load %arg8[%get3A_480] {strides = array<i32>} : memref<1024xi32, #tpu.memory_space<vmem>>, vector<16xi32>,
      %add3A_482 = arith.addi %add3A_479, %get3A_481 : vector<16xi32>
      %get3A_483 = arith.constant 192 : index
      %get3A_484 = tpu.vector_load %arg8[%get3A_483] {strides = array<i32>} : memref<1024xi32, #tpu.memory_space<vmem>>, vector<16xi32>,
      %add3A_485 = arith.addi %add3A_482, %get3A_484 : vector<16xi32>
      %get3A_486 = arith.constant 256 : index
      %get3A_487 = tpu.vector_load %arg8[%get3A_486] {strides = array<i32>} : memref<1024xi32, #tpu.memory_space<vmem>>, vector<16xi32>,
      %add3A_488 = arith.addi %add3A_485, %get3A_487 : vector<16xi32>
      %get3A_489 = arith.constant 320 : index
      %get3A_490 = tpu.vector_load %arg8[%get3A_489] {strides = array<i32>} : memref<1024xi32, #tpu.memory_space<vmem>>, vector<16xi32>,
      %add3A_491 = arith.addi %add3A_488, %get3A_490 : vector<16xi32>
      %get3A_492 = arith.constant 384 : index
      %get3A_493 = tpu.vector_load %arg8[%get3A_492] {strides = array<i32>} : memref<1024xi32, #tpu.memory_space<vmem>>, vector<16xi32>,
      %add3A_494 = arith.addi %add3A_491, %get3A_493 : vector<16xi32>
      %get3A_495 = arith.constant 448 : index
      %get3A_496 = tpu.vector_load %arg8[%get3A_495] {strides = array<i32>} : memref<1024xi32, #tpu.memory_space<vmem>>, vector<16xi32>,
      %add3A_497 = arith.addi %add3A_494, %get3A_496 : vector<16xi32>
      %get3A_498 = arith.constant 512 : index
      %get3A_499 = tpu.vector_load %arg8[%get3A_498] {strides = array<i32>} : memref<1024xi32, #tpu.memory_space<vmem>>, vector<16xi32>,
      %add3A_500 = arith.addi %add3A_497, %get3A_499 : vector<16xi32>
      %get3A_501 = arith.constant 576 : index
      %get3A_502 = tpu.vector_load %arg8[%get3A_501] {strides = array<i32>} : memref<1024xi32, #tpu.memory_space<vmem>>, vector<16xi32>,
      %add3A_503 = arith.addi %add3A_500, %get3A_502 : vector<16xi32>
      %get3A_504 = arith.constant 640 : index
      %get3A_505 = tpu.vector_load %arg8[%get3A_504] {strides = array<i32>} : memref<1024xi32, #tpu.memory_space<vmem>>, vector<16xi32>,
      %add3A_506 = arith.addi %add3A_503, %get3A_505 : vector<16xi32>
      %get3A_507 = arith.constant 704 : index
      %get3A_508 = tpu.vector_load %arg8[%get3A_507] {strides = array<i32>} : memref<1024xi32, #tpu.memory_space<vmem>>, vector<16xi32>,
      %add3A_509 = arith.addi %add3A_506, %get3A_508 : vector<16xi32>
      %get3A_510 = arith.constant 768 : index
      %get3A_511 = tpu.vector_load %arg8[%get3A_510] {strides = array<i32>} : memref<1024xi32, #tpu.memory_space<vmem>>, vector<16xi32>,
      %add3A_512 = arith.addi %add3A_509, %get3A_511 : vector<16xi32>
      %get3A_513 = arith.constant 832 : index
      %get3A_514 = tpu.vector_load %arg8[%get3A_513] {strides = array<i32>} : memref<1024xi32, #tpu.memory_space<vmem>>, vector<16xi32>,
      %add3A_515 = arith.addi %add3A_512, %get3A_514 : vector<16xi32>
      %get3A_516 = arith.constant 896 : index
      %get3A_517 = tpu.vector_load %arg8[%get3A_516] {strides = array<i32>} : memref<1024xi32, #tpu.memory_space<vmem>>, vector<16xi32>,
      %add3A_518 = arith.addi %add3A_515, %get3A_517 : vector<16xi32>
      %get3A_519 = arith.constant 960 : index
      %get3A_520 = tpu.vector_load %arg8[%get3A_519] {strides = array<i32>} : memref<1024xi32, #tpu.memory_space<vmem>>, vector<16xi32>,
      %add3A_521 = arith.addi %add3A_518, %get3A_520 : vector<16xi32>
      %min3A = arith.minsi %add3A_521, %get3A_474 : vector<16xi32>
      %swap3A_522 = arith.constant 0 : index
      %swap3A_523 = tpu.vector_load %arg7[%swap3A_522] {strides = array<i32>} : memref<64xi32, #tpu.memory_space<vmem>>, vector<16xi32>,
      tpu.vector_store %arg7[%swap3A_522], %min3A {strides = array<i32>} : memref<64xi32, #tpu.memory_space<vmem>>, vector<16xi32>,
      %get3A_524 = arith.constant 16 : index
      %get3A_525 = tpu.vector_load %arg8[%get3A_524] {strides = array<i32>} : memref<1024xi32, #tpu.memory_space<vmem>>, vector<16xi32>,
      %get3A_526 = arith.constant 80 : index
      %get3A_527 = tpu.vector_load %arg8[%get3A_526] {strides = array<i32>} : memref<1024xi32, #tpu.memory_space<vmem>>, vector<16xi32>,
      %add3A_528 = arith.addi %get3A_525, %get3A_527 : vector<16xi32>
      %get3A_529 = arith.constant 144 : index
      %get3A_530 = tpu.vector_load %arg8[%get3A_529] {strides = array<i32>} : memref<1024xi32, #tpu.memory_space<vmem>>, vector<16xi32>,
      %add3A_531 = arith.addi %add3A_528, %get3A_530 : vector<16xi32>
      %get3A_532 = arith.constant 208 : index
      %get3A_533 = tpu.vector_load %arg8[%get3A_532] {strides = array<i32>} : memref<1024xi32, #tpu.memory_space<vmem>>, vector<16xi32>,
      %add3A_534 = arith.addi %add3A_531, %get3A_533 : vector<16xi32>
      %get3A_535 = arith.constant 272 : index
      %get3A_536 = tpu.vector_load %arg8[%get3A_535] {strides = array<i32>} : memref<1024xi32, #tpu.memory_space<vmem>>, vector<16xi32>,
      %add3A_537 = arith.addi %add3A_534, %get3A_536 : vector<16xi32>
      %get3A_538 = arith.constant 336 : index
      %get3A_539 = tpu.vector_load %arg8[%get3A_538] {strides = array<i32>} : memref<1024xi32, #tpu.memory_space<vmem>>, vector<16xi32>,
      %add3A_540 = arith.addi %add3A_537, %get3A_539 : vector<16xi32>
      %get3A_541 = arith.constant 400 : index
      %get3A_542 = tpu.vector_load %arg8[%get3A_541] {strides = array<i32>} : memref<1024xi32, #tpu.memory_space<vmem>>, vector<16xi32>,
      %add3A_543 = arith.addi %add3A_540, %get3A_542 : vector<16xi32>
      %get3A_544 = arith.constant 464 : index
      %get3A_545 = tpu.vector_load %arg8[%get3A_544] {strides = array<i32>} : memref<1024xi32, #tpu.memory_space<vmem>>, vector<16xi32>,
      %add3A_546 = arith.addi %add3A_543, %get3A_545 : vector<16xi32>
      %get3A_547 = arith.constant 528 : index
      %get3A_548 = tpu.vector_load %arg8[%get3A_547] {strides = array<i32>} : memref<1024xi32, #tpu.memory_space<vmem>>, vector<16xi32>,
      %add3A_549 = arith.addi %add3A_546, %get3A_548 : vector<16xi32>
      %get3A_550 = arith.constant 592 : index
      %get3A_551 = tpu.vector_load %arg8[%get3A_550] {strides = array<i32>} : memref<1024xi32, #tpu.memory_space<vmem>>, vector<16xi32>,
      %add3A_552 = arith.addi %add3A_549, %get3A_551 : vector<16xi32>
      %get3A_553 = arith.constant 656 : index
      %get3A_554 = tpu.vector_load %arg8[%get3A_553] {strides = array<i32>} : memref<1024xi32, #tpu.memory_space<vmem>>, vector<16xi32>,
      %add3A_555 = arith.addi %add3A_552, %get3A_554 : vector<16xi32>
      %get3A_556 = arith.constant 720 : index
      %get3A_557 = tpu.vector_load %arg8[%get3A_556] {strides = array<i32>} : memref<1024xi32, #tpu.memory_space<vmem>>, vector<16xi32>,
      %add3A_558 = arith.addi %add3A_555, %get3A_557 : vector<16xi32>
      %get3A_559 = arith.constant 784 : index
      %get3A_560 = tpu.vector_load %arg8[%get3A_559] {strides = array<i32>} : memref<1024xi32, #tpu.memory_space<vmem>>, vector<16xi32>,
      %add3A_561 = arith.addi %add3A_558, %get3A_560 : vector<16xi32>
      %get3A_562 = arith.constant 848 : index
      %get3A_563 = tpu.vector_load %arg8[%get3A_562] {strides = array<i32>} : memref<1024xi32, #tpu.memory_space<vmem>>, vector<16xi32>,
      %add3A_564 = arith.addi %add3A_561, %get3A_563 : vector<16xi32>
      %get3A_565 = arith.constant 912 : index
      %get3A_566 = tpu.vector_load %arg8[%get3A_565] {strides = array<i32>} : memref<1024xi32, #tpu.memory_space<vmem>>, vector<16xi32>,
      %add3A_567 = arith.addi %add3A_564, %get3A_566 : vector<16xi32>
      %get3A_568 = arith.constant 976 : index
      %get3A_569 = tpu.vector_load %arg8[%get3A_568] {strides = array<i32>} : memref<1024xi32, #tpu.memory_space<vmem>>, vector<16xi32>,
      %add3A_570 = arith.addi %add3A_567, %get3A_569 : vector<16xi32>
      %min3A_571 = arith.minsi %add3A_570, %get3A_474 : vector<16xi32>
      %swap3A_572 = arith.constant 16 : index
      %swap3A_573 = tpu.vector_load %arg7[%swap3A_572] {strides = array<i32>} : memref<64xi32, #tpu.memory_space<vmem>>, vector<16xi32>,
      tpu.vector_store %arg7[%swap3A_572], %min3A_571 {strides = array<i32>} : memref<64xi32, #tpu.memory_space<vmem>>, vector<16xi32>,
      %get3A_574 = arith.constant 32 : index
      %get3A_575 = tpu.vector_load %arg8[%get3A_574] {strides = array<i32>} : memref<1024xi32, #tpu.memory_space<vmem>>, vector<16xi32>,
      %get3A_576 = arith.constant 96 : index
      %get3A_577 = tpu.vector_load %arg8[%get3A_576] {strides = array<i32>} : memref<1024xi32, #tpu.memory_space<vmem>>, vector<16xi32>,
      %add3A_578 = arith.addi %get3A_575, %get3A_577 : vector<16xi32>
      %get3A_579 = arith.constant 160 : index
      %get3A_580 = tpu.vector_load %arg8[%get3A_579] {strides = array<i32>} : memref<1024xi32, #tpu.memory_space<vmem>>, vector<16xi32>,
      %add3A_581 = arith.addi %add3A_578, %get3A_580 : vector<16xi32>
      %get3A_582 = arith.constant 224 : index
      %get3A_583 = tpu.vector_load %arg8[%get3A_582] {strides = array<i32>} : memref<1024xi32, #tpu.memory_space<vmem>>, vector<16xi32>,
      %add3A_584 = arith.addi %add3A_581, %get3A_583 : vector<16xi32>
      %get3A_585 = arith.constant 288 : index
      %get3A_586 = tpu.vector_load %arg8[%get3A_585] {strides = array<i32>} : memref<1024xi32, #tpu.memory_space<vmem>>, vector<16xi32>,
      %add3A_587 = arith.addi %add3A_584, %get3A_586 : vector<16xi32>
      %get3A_588 = arith.constant 352 : index
      %get3A_589 = tpu.vector_load %arg8[%get3A_588] {strides = array<i32>} : memref<1024xi32, #tpu.memory_space<vmem>>, vector<16xi32>,
      %add3A_590 = arith.addi %add3A_587, %get3A_589 : vector<16xi32>
      %get3A_591 = arith.constant 416 : index
      %get3A_592 = tpu.vector_load %arg8[%get3A_591] {strides = array<i32>} : memref<1024xi32, #tpu.memory_space<vmem>>, vector<16xi32>,
      %add3A_593 = arith.addi %add3A_590, %get3A_592 : vector<16xi32>
      %get3A_594 = arith.constant 480 : index
      %get3A_595 = tpu.vector_load %arg8[%get3A_594] {strides = array<i32>} : memref<1024xi32, #tpu.memory_space<vmem>>, vector<16xi32>,
      %add3A_596 = arith.addi %add3A_593, %get3A_595 : vector<16xi32>
      %get3A_597 = arith.constant 544 : index
      %get3A_598 = tpu.vector_load %arg8[%get3A_597] {strides = array<i32>} : memref<1024xi32, #tpu.memory_space<vmem>>, vector<16xi32>,
      %add3A_599 = arith.addi %add3A_596, %get3A_598 : vector<16xi32>
      %get3A_600 = arith.constant 608 : index
      %get3A_601 = tpu.vector_load %arg8[%get3A_600] {strides = array<i32>} : memref<1024xi32, #tpu.memory_space<vmem>>, vector<16xi32>,
      %add3A_602 = arith.addi %add3A_599, %get3A_601 : vector<16xi32>
      %get3A_603 = arith.constant 672 : index
      %get3A_604 = tpu.vector_load %arg8[%get3A_603] {strides = array<i32>} : memref<1024xi32, #tpu.memory_space<vmem>>, vector<16xi32>,
      %add3A_605 = arith.addi %add3A_602, %get3A_604 : vector<16xi32>
      %get3A_606 = arith.constant 736 : index
      %get3A_607 = tpu.vector_load %arg8[%get3A_606] {strides = array<i32>} : memref<1024xi32, #tpu.memory_space<vmem>>, vector<16xi32>,
      %add3A_608 = arith.addi %add3A_605, %get3A_607 : vector<16xi32>
      %get3A_609 = arith.constant 800 : index
      %get3A_610 = tpu.vector_load %arg8[%get3A_609] {strides = array<i32>} : memref<1024xi32, #tpu.memory_space<vmem>>, vector<16xi32>,
      %add3A_611 = arith.addi %add3A_608, %get3A_610 : vector<16xi32>
      %get3A_612 = arith.constant 864 : index
      %get3A_613 = tpu.vector_load %arg8[%get3A_612] {strides = array<i32>} : memref<1024xi32, #tpu.memory_space<vmem>>, vector<16xi32>,
      %add3A_614 = arith.addi %add3A_611, %get3A_613 : vector<16xi32>
      %get3A_615 = arith.constant 928 : index
      %get3A_616 = tpu.vector_load %arg8[%get3A_615] {strides = array<i32>} : memref<1024xi32, #tpu.memory_space<vmem>>, vector<16xi32>,
      %add3A_617 = arith.addi %add3A_614, %get3A_616 : vector<16xi32>
      %get3A_618 = arith.constant 992 : index
      %get3A_619 = tpu.vector_load %arg8[%get3A_618] {strides = array<i32>} : memref<1024xi32, #tpu.memory_space<vmem>>, vector<16xi32>,
      %add3A_620 = arith.addi %add3A_617, %get3A_619 : vector<16xi32>
      %min3A_621 = arith.minsi %add3A_620, %get3A_474 : vector<16xi32>
      %swap3A_622 = arith.constant 32 : index
      %swap3A_623 = tpu.vector_load %arg7[%swap3A_622] {strides = array<i32>} : memref<64xi32, #tpu.memory_space<vmem>>, vector<16xi32>,
      tpu.vector_store %arg7[%swap3A_622], %min3A_621 {strides = array<i32>} : memref<64xi32, #tpu.memory_space<vmem>>, vector<16xi32>,
      %get3A_624 = arith.constant 48 : index
      %get3A_625 = tpu.vector_load %arg8[%get3A_624] {strides = array<i32>} : memref<1024xi32, #tpu.memory_space<vmem>>, vector<16xi32>,
      %get3A_626 = arith.constant 112 : index
      %get3A_627 = tpu.vector_load %arg8[%get3A_626] {strides = array<i32>} : memref<1024xi32, #tpu.memory_space<vmem>>, vector<16xi32>,
      %add3A_628 = arith.addi %get3A_625, %get3A_627 : vector<16xi32>
      %get3A_629 = arith.constant 176 : index
      %get3A_630 = tpu.vector_load %arg8[%get3A_629] {strides = array<i32>} : memref<1024xi32, #tpu.memory_space<vmem>>, vector<16xi32>,
      %add3A_631 = arith.addi %add3A_628, %get3A_630 : vector<16xi32>
      %get3A_632 = arith.constant 240 : index
      %get3A_633 = tpu.vector_load %arg8[%get3A_632] {strides = array<i32>} : memref<1024xi32, #tpu.memory_space<vmem>>, vector<16xi32>,
      %add3A_634 = arith.addi %add3A_631, %get3A_633 : vector<16xi32>
      %get3A_635 = arith.constant 304 : index
      %get3A_636 = tpu.vector_load %arg8[%get3A_635] {strides = array<i32>} : memref<1024xi32, #tpu.memory_space<vmem>>, vector<16xi32>,
      %add3A_637 = arith.addi %add3A_634, %get3A_636 : vector<16xi32>
      %get3A_638 = arith.constant 368 : index
      %get3A_639 = tpu.vector_load %arg8[%get3A_638] {strides = array<i32>} : memref<1024xi32, #tpu.memory_space<vmem>>, vector<16xi32>,
      %add3A_640 = arith.addi %add3A_637, %get3A_639 : vector<16xi32>
      %get3A_641 = arith.constant 432 : index
      %get3A_642 = tpu.vector_load %arg8[%get3A_641] {strides = array<i32>} : memref<1024xi32, #tpu.memory_space<vmem>>, vector<16xi32>,
      %add3A_643 = arith.addi %add3A_640, %get3A_642 : vector<16xi32>
      %get3A_644 = arith.constant 496 : index
      %get3A_645 = tpu.vector_load %arg8[%get3A_644] {strides = array<i32>} : memref<1024xi32, #tpu.memory_space<vmem>>, vector<16xi32>,
      %add3A_646 = arith.addi %add3A_643, %get3A_645 : vector<16xi32>
      %get3A_647 = arith.constant 560 : index
      %get3A_648 = tpu.vector_load %arg8[%get3A_647] {strides = array<i32>} : memref<1024xi32, #tpu.memory_space<vmem>>, vector<16xi32>,
      %add3A_649 = arith.addi %add3A_646, %get3A_648 : vector<16xi32>
      %get3A_650 = arith.constant 624 : index
      %get3A_651 = tpu.vector_load %arg8[%get3A_650] {strides = array<i32>} : memref<1024xi32, #tpu.memory_space<vmem>>, vector<16xi32>,
      %add3A_652 = arith.addi %add3A_649, %get3A_651 : vector<16xi32>
      %get3A_653 = arith.constant 688 : index
      %get3A_654 = tpu.vector_load %arg8[%get3A_653] {strides = array<i32>} : memref<1024xi32, #tpu.memory_space<vmem>>, vector<16xi32>,
      %add3A_655 = arith.addi %add3A_652, %get3A_654 : vector<16xi32>
      %get3A_656 = arith.constant 752 : index
      %get3A_657 = tpu.vector_load %arg8[%get3A_656] {strides = array<i32>} : memref<1024xi32, #tpu.memory_space<vmem>>, vector<16xi32>,
      %add3A_658 = arith.addi %add3A_655, %get3A_657 : vector<16xi32>
      %get3A_659 = arith.constant 816 : index
      %get3A_660 = tpu.vector_load %arg8[%get3A_659] {strides = array<i32>} : memref<1024xi32, #tpu.memory_space<vmem>>, vector<16xi32>,
      %add3A_661 = arith.addi %add3A_658, %get3A_660 : vector<16xi32>
      %get3A_662 = arith.constant 880 : index
      %get3A_663 = tpu.vector_load %arg8[%get3A_662] {strides = array<i32>} : memref<1024xi32, #tpu.memory_space<vmem>>, vector<16xi32>,
      %add3A_664 = arith.addi %add3A_661, %get3A_663 : vector<16xi32>
      %get3A_665 = arith.constant 944 : index
      %get3A_666 = tpu.vector_load %arg8[%get3A_665] {strides = array<i32>} : memref<1024xi32, #tpu.memory_space<vmem>>, vector<16xi32>,
      %add3A_667 = arith.addi %add3A_664, %get3A_666 : vector<16xi32>
      %get3A_668 = arith.constant 1008 : index
      %get3A_669 = tpu.vector_load %arg8[%get3A_668] {strides = array<i32>} : memref<1024xi32, #tpu.memory_space<vmem>>, vector<16xi32>,
      %add3A_670 = arith.addi %add3A_667, %get3A_669 : vector<16xi32>
      %min3A_671 = arith.minsi %add3A_670, %get3A_474 : vector<16xi32>
      %swap3A_672 = arith.constant 48 : index
      %swap3A_673 = tpu.vector_load %arg7[%swap3A_672] {strides = array<i32>} : memref<64xi32, #tpu.memory_space<vmem>>, vector<16xi32>,
      tpu.vector_store %arg7[%swap3A_672], %min3A_671 {strides = array<i32>} : memref<64xi32, #tpu.memory_space<vmem>>, vector<16xi32>,
      "tpu.region"() ({
        %run_scoped3A = tpu.sem_alloc : memref<!tpu.dma_semaphore, #tpu.memory_space<semaphore_mem>>
        tpu.enqueue_dma source(%arg7 : memref<64xi32, #tpu.memory_space<vmem>>) target(%arg4 : memref<64xi32, #tpu.memory_space<hbm>>) target_semaphore(%run_scoped3A : memref<!tpu.dma_semaphore, #tpu.memory_space<semaphore_mem>>)
        tpu.wait_dma2 semaphore(%run_scoped3A : memref<!tpu.dma_semaphore, #tpu.memory_space<semaphore_mem>>) src(%arg7 : memref<64xi32, #tpu.memory_space<vmem>>) dst(%arg4 : memref<64xi32, #tpu.memory_space<hbm>>)
        tpu.yield
      }) : () -> ()
    } else {
    }
    return
  }
}

</mosaic_0001>

<sc_bundles>
// kernel: _annotate.3.cloned.1.call-start
scs
__scs_entry_jumppad:
0x0: {  	(pc) =	sbr.rel $0x88, $3  }
0x1: {  	(tag) =	ssettag $0x0;
	lr =	simm.s32 $0x1  }
0x2: {  	[smem:$0x3F9E] =	sst lr;
	_ =	strace $0xD0000000  }
0x3: {  	_ = 	snop  }
0x4: {  	_ = 	snop  }
0x5: {  	_ = 	snop  }
0x6: {  	_ = 	snop  }
0x7: {  	_ = 	snop  }
__scs_overlays_trampoline_lowered:
0x8: {  	[smem:$0x3FAD] =	sst s0  }
0x9: {  	[smem:$0x3FAE] =	sst s1  }
0xa: {  	[smem:$0x3FAF] =	sst s2  }
0xb: {  	[smem:$0x3FB0] =	sst s3  }
0xc: {  	[smem:$0x3FB1] =	sst s4  }
0xd: {  	[smem:$0x3FB2] =	sst s5  }
0xe: {  	[smem:$0x3FB3] =	sst s6  }
0xf: {  	[smem:$0x3FB4] =	sst s7  }
0x10: {  	[smem:$0x3FB5] =	sst s8  }
0x11: {  	[smem:$0x3FB6] =	sst s9;
	s0 =	simm.s32 @!p0 $0x0  }
0x12: {  	s1 =	sld [smem:$0x3F9C];
	s0 =	simm.s32 @p0 $0x1  }
0x13: {  	[smem:$0x3FB7] =	sst s0;
	s0 =	simm.s32 @!p1 $0x0  }
0x14: {  	s2 =	sld [smem:$0x3F9B];
	s0 =	simm.s32 @p1 $0x1  }
0x15: {  	[smem:$0x3FB8] =	sst s0;
	s0 =	simm.s32 @!p2 $0x0  }
0x16: {  	s3 =	sld [smem:$0x3FDB];
	s0 =	simm.s32 @p2 $0x1  }
0x17: {  	s4 =	simm.s32 $0x1BF5;
	[smem:$0x3FBA] =	sst s0  }
0x18: {  	s0 =	sld [smem:$0x3F9D];
	_ =	swait.ge [sflag:s4], $0x0  }
0x19: {  	s7 =	sld [smem:$0x3F9E]  }
0x1a: {  	s8 =	sadd.s32 $0xFFFFE003, lr  }
0x1b: {  	s9 =	sadd.s32 $0xFFFFFEF7, lr;
	s5 =	simm.s32 $0xFFFFFFFF;
	p2 =	slt.u32 s8, $0xFFFFF086  }
0x1c: {  	p1 =	slt.u32 s9, $0xF7A;
	s5 =	simm.s32 @!p2 $0x0  }
0x1d: {  	s5 =	simm.s32 @p1 $0x1;
	p0 =	seq.s32 s7, s2  }
0x1e: {  	s7 =	smul.u32 @!p0 $0xF7A, s2;
	p2 =	seq.s32 @!p0 s5, $0x0  }
0x1f: {  	s9 =	smul.u32 $0xF7A, s1;
	s8 =	simm.s32 @!p0 $0x1BF5;
	p2 =	por !p2, p0  }
0x20: {  	[sflag:s8] =	ssyncset.s32 @!p0 $0xFFFFF086;
	s6 =	sadd.s32 @!p0 s3, s7;
	s7 =	simm.s32 @!p0 $0x108  }
0x21: {  	s3 =	sadd.s32 s3, s9;
	s6 =	sadd.s32 @!p0 $0x88, s6;
	s7 =	simm.s32 @p2 $0x1082  }
0x22: {  	[simem:s7], [sflag:s8] =	dma.local @!p0 [hbm:s6], $0xF7A  }
0x23: {  	s9 =	sor.u32 $0xD0000000, s2;
	s6 =	simm.s32 $0x108;
	_ =	swait.ge @!p0 [sflag:s8], $0x0  }
0x24: {  	s3 =	sadd.s32 $0x88, s3;
	s6 =	simm.s32 @!p1 $0x1082;
	[sflag:s4] =	ssyncset.s32 $0xFFFFF086  }
0x25: {  	[simem:s6], [sflag:s4] =	dma.local [hbm:s3], $0xF7A  }
0x26: {  	[smem:$0x3F9E] =	sst s1;
	(tag) =	ssettag s2;
	_ =	strace s9  }
0x27: {  	s1 =	sld [smem:$0x3FAE]  }
0x28: {  	s2 =	sld [smem:$0x3FAF]  }
0x29: {  	s4 =	sld [smem:$0x3FB1]  }
0x2a: {  	p0 =	seq.s32 s5, $0x0;
	s5 =	sld [smem:$0x3FB2]  }
0x2b: {  	s6 =	sld [smem:$0x3FB3]  }
0x2c: {  	s7 =	sld [smem:$0x3FB4]  }
0x2d: {  	s3 =	simm.s32 $0x108;
	s8 =	sld [smem:$0x3FB5]  }
0x2e: {  	s3 =	simm.s32 @!p0 $0x1082;
	s9 =	sld [smem:$0x3FB6]  }
0x2f: {  	lr =	sadd.s32 s0, s3;
	s0 =	sld [smem:$0x3FAD]  }
0x30: {  	s3 =	sld [smem:$0x3FB0]  }
0x31: {  	[smem:$0x3FB9] =	sst s10  }
0x32: {  	s10 =	sld [smem:$0x3FB7];
	_ =	sdelay $0x3  }
0x33: {  	p0 =	seq.s32 s10, $0x1;
	s10 =	sld [smem:$0x3FB9];
	_ =	sdelay $0x3  }
0x34: {  	[smem:$0x3FB9] =	sst s10  }
0x35: {  	s10 =	sld [smem:$0x3FB8];
	_ =	sdelay $0x3  }
0x36: {  	p1 =	seq.s32 s10, $0x1;
	s10 =	sld [smem:$0x3FB9];
	_ =	sdelay $0x3  }
0x37: {  	[smem:$0x3FB9] =	sst s10  }
0x38: {  	s10 =	sld [smem:$0x3FBA]  }
0x39: {  	_ = 	snop;
	(pc) =	sbr.ind lr, $3  }
0x3a: {  	_ = 	snop  }
0x3b: {  	_ = 	snop  }
0x3c: {  	p2 =	seq.s32 s10, $0x1;
	s10 =	sld [smem:$0x3FB9]  }
0x3d: {  	_ =	shalt  }
0x3e: {  	_ =	shalt  }
0x3f: {  	_ =	shalt  }
0x40: {  	_ =	shalt  }
0x41: {  	_ =	shalt  }
0x42: {  	_ =	shalt  }
0x43: {  	_ =	shalt  }
0x44: {  	_ =	shalt  }
0x45: {  	_ =	shalt  }
0x46: {  	_ =	shalt  }
0x47: {  	_ =	shalt  }
0x48: {  	_ =	shalt  }
0x49: {  	_ =	shalt  }
0x4a: {  	_ =	shalt  }
0x4b: {  	_ =	shalt  }
0x4c: {  	_ =	shalt  }
0x4d: {  	_ =	shalt  }
0x4e: {  	_ =	shalt  }
0x4f: {  	_ =	shalt  }
0x50: {  	_ =	shalt  }
0x51: {  	_ =	shalt  }
0x52: {  	_ =	shalt  }
0x53: {  	_ =	shalt  }
0x54: {  	_ =	shalt  }
0x55: {  	_ =	shalt  }
0x56: {  	_ =	shalt  }
0x57: {  	_ =	shalt  }
0x58: {  	_ =	shalt  }
0x59: {  	_ =	shalt  }
0x5a: {  	_ =	shalt  }
0x5b: {  	_ =	shalt  }
0x5c: {  	_ =	shalt  }
0x5d: {  	_ =	shalt  }
0x5e: {  	_ =	shalt  }
0x5f: {  	_ =	shalt  }
0x60: {  	_ =	shalt  }
0x61: {  	_ =	shalt  }
0x62: {  	_ =	shalt  }
0x63: {  	_ =	shalt  }
0x64: {  	_ =	shalt  }
0x65: {  	_ =	shalt  }
0x66: {  	_ =	shalt  }
0x67: {  	_ =	shalt  }
0x68: {  	_ =	shalt  }
0x69: {  	_ =	shalt  }
0x6a: {  	_ =	shalt  }
0x6b: {  	_ =	shalt  }
0x6c: {  	_ =	shalt  }
0x6d: {  	_ =	shalt  }
0x6e: {  	_ =	shalt  }
0x6f: {  	_ =	shalt  }
0x70: {  	_ =	shalt  }
0x71: {  	_ =	shalt  }
0x72: {  	_ =	shalt  }
0x73: {  	_ =	shalt  }
0x74: {  	_ =	shalt  }
0x75: {  	_ =	shalt  }
0x76: {  	_ =	shalt  }
0x77: {  	_ =	shalt  }
0x78: {  	_ =	shalt  }
0x79: {  	_ =	shalt  }
0x7a: {  	_ =	shalt  }
0x7b: {  	_ =	shalt  }
0x7c: {  	_ =	shalt  }
0x7d: {  	_ =	shalt  }
0x7e: {  	_ =	shalt  }
0x7f: {  	_ =	shalt  }
0x80: {  	_ =	shalt  }
0x81: {  	_ =	shalt  }
0x82: {  	_ =	shalt  }
0x83: {  	_ =	shalt  }
0x84: {  	_ =	shalt  }
0x85: {  	_ =	shalt  }
0x86: {  	_ =	shalt  }
0x87: {  	_ =	shalt  }
.Lfunc_end0:
.L_simem_size_0:
called_computation_lowered:
.L_overlay_start_0:
0x88: {  	s0 =	sld [smem:$0x3FD9]  }
0x89: {  	s1 =	sld [smem:$0x3FFE];
	_ =	sdelay $0x3  }
0x8a: {  	s0 =	sadd.s32 s1, s0  }
0x8b: {  	[smem:$0x3FC5] =	sst s0  }
0x8c: {  	_ = 	snop  }
0x8d: {  	s0 =	sld [smem:$0x3FD0];
	_ =	sdelay $0x1  }
0x8e: {  	s14 =	sld [smem:$0x3FC8]  }
0x8f: {  	s3 =	simm.s32 $0xA;
	s4 =	simm.s32 $0x10;
	s2 =	sld [smem:$0x3FC7]  }
0x90: {  	[smem:s4], [sflag:s3] =	dma.local [hbm:s0], $0x1  }
0x91: {  	_ =	swait.eq [sflag:s3], $0x1  }
0x92: {  	[sflag:s3] =	ssyncset.done $0x0  }
0x93: {  	[sflag:s3] =	ssyncadd.s32 $0xFFFFFFFF  }
0x94: {  	s15 =	sld [smem:$0x11];
	(tm) =	ssettm $0x1  }
0x95: {  	s16 =	sld [smem:$0x3FFB];
	_ =	sdelay $0x3  }
0x96: {  	_ =	strace s16  }
0x97: {  	s3 =	sld [smem:$0x3FFC];
	_ =	sdelay $0x3  }
0x98: {  	_ =	strace s3  }
0x99: {  	s3 =	sld [smem:$0x3FFD];
	_ =	sdelay $0x3  }
0x9a: {  	_ =	strace s3  }
0x9b: {  	_ =	strace $0x8FFFFFFF  }
0x9c: {  	s17 =	sld [smem:$0x3FDB];
	_ =	sdelay $0x1  }
0x9d: {  	s18 =	simm.s32 $_scs_section_size  }
0x9e: {  	s5 =	simm.s32 $_size__tile_overlayer_lowered;
	s6 =	simm.s32 $_tile_overlayer_lowered  }
0x9f: {  	s21 =	simm.s32 $0x1BFF;
	s20 =	sshll.u32 s6, $0x1;
	s3 =	sadd.s32 s18, s17  }
0xa0: {  	s7 =	simm.s32 $0x0;
	s19 =	sshll.u32 s5, $0x1;
	s5 =	sadd.s32 s20, s3  }
0xa1: {  	[timem:s7], [sflag:s21] =	dma.local [hbm:s5], s19  }
0xa2: {  	_ =	swait.ge [sflag:s21], s19  }
0xa3: {  	s4 =	ssub.s32 $0x0, s19;
	[sflag:s21] =	ssyncset.done $0x0  }
0xa4: {  	[sflag:s21] =	ssyncadd.s32 s4;
	_ =	sdelay $0x1  }
0xa5: {  	s22 =	simm.s32 $0x1B8B  }
0xa6: {  	_ =	swait.ge [sflag:s22], $0x1  }
0xa7: {  	[sflag:s22] =	ssyncset.done $0x0  }
0xa8: {  	s23 =	simm.s32 $0x1B8E;
	[sflag:s22] =	ssyncadd.s32 $0xFFFFFFFF  }
0xa9: {  	s24 =	simm.s32 $execute0_lowered;
	[smem:$0x3FD2] =	sst s23  }
0xaa: {  	s4 =	sshll.u32 s24, $0x1;
	_ =	strace $0x80000046;
	[dreg:$0x1] =	wrdreg $0xFFFFFFFF  }
0xab: {  	s25 =	simm.s32 $_size_execute0_lowered;
	s3 =	sadd.s32 s3, s4;
	[dreg:$0x0] =	wrdreg $0x0  }
0xac: {  	s4 =	sshll.u32 s25, $0x1;
	[dreg:$0x2] =	wrdreg s3  }
0xad: {  	[dreg:$0x3] =	wrdreg s4  }
0xae: {  	[dreg:$0x4] =	wrdreg $0xC0  }
0xaf: {  	_ =	task [dreg:s7], $0x5FFFF  }
0xb0: {  	[dreg:$0x1] =	wrdreg $0xFFFFFFFF  }
0xb1: {  	[dreg:$0x0] =	wrdreg $0x60  }
0xb2: {  	[dreg:$0x2] =	wrdreg s14  }
0xb3: {  	[dreg:$0x3] =	wrdreg s2  }
0xb4: {  	[dreg:$0x4] =	wrdreg s15  }
0xb5: {  	[dreg:$0x5] =	wrdreg $0x11000  }
0xb6: {  	[dreg:$0x6] =	wrdreg $0x9  }
0xb7: {  	_ =	task.clear_ibuf [dreg:s7], $0x7FFFF;
	_ =	strace $0x90000046  }
0xb8: {  	s26 =	simm.s32 $0x9;
	_ =	strace $0x80000048  }
0xb9: {  	_ =	swait.ge [sflag:s26], $0x1  }
0xba: {  	[sflag:s26] =	ssyncadd.s32 $0xFFFFFFFF  }
0xbb: {  	_ =	strace $0x90000048  }
0xbc: {  	_ =	sfence  }
0xbd: {  	s28 =	sld [smem:$0x0];
	_ =	sdelay $0x1  }
0xbe: {  	s29 =	srdreg.scid  }
0xbf: {  	s30 =	sshll.u32 s29, $0xD;
	s31 =	sshrl.u32 s29, $0x2  }
0xc0: {  	s1 =	sand.u32 $0x1, s29;
	s2 =	sand.u32 $0x4000, s30;
	s0 =	sadd.s32 s31, s28  }
0xc1: {  	s1 =	sor.u32 s2, s1;
	s0 =	sshll.u32 s0, $0x11  }
0xc2: {  	s0 =	sor.u32 s0, s1  }
0xc3: {  	s0 =	sadd.s32 $0x8F2B, s0  }
0xc4: {  	[sflag:s0] =	ssyncadd.remote.s32 $0x1  }
0xc5: {  	_ =	sfence.sel $0xFFFF  }
0xc6: {  	[dreg:$0x0] =	wrdreg $0xFFFFFFFF;
	(pc) =	sbr.abs _section_cstart, $3  }
0xc7: {  	[dreg:$0x1] =	wrdreg $0xFFFFFFFF  }
0xc8: {  	_ =	task.clear_ibuf [dreg:s7], $0x2FFFF;
	_ =	strace $0x9FFFFFFF  }
0xc9: {  	(tm) =	ssettm $0x7FFFFFFF  }
tec
execute0_lowered:
.L_overlay_start_1:
0x0: {  	(tag) =	ssettag $0x1  }
0x1: {  	s6 =	rddreg [dreg:$0x0]  }
0x2: {  	s3 =	rddreg [dreg:$0x1]  }
0x3: {  	s1 =	rddreg [dreg:$0x2]  }
0x4: {  	s2 =	rddreg [dreg:$0x3];
	s7 =	simm.s32 $0x0  }
0x5: {  	v0 =	vimm.s32 $0x0;
	[smem:$0x7FF] =	sst s7  }
0x6: {  	s0 =	rddreg [dreg:$0x4];
	_ =	strace $0x80000047;
	[tilespmem:$0x800] =	vst v0  }
0x7: {  	[tilespmem:$0x810] =	vst v0  }
0x8: {  	[tilespmem:$0x820] =	vst v0  }
0x9: {  	[tilespmem:$0x830] =	vst v0  }
0xa: {  	[tilespmem:$0x840] =	vst v0  }
0xb: {  	[tilespmem:$0x850] =	vst v0  }
0xc: {  	[tilespmem:$0x860] =	vst v0  }
0xd: {  	[tilespmem:$0x870] =	vst v0  }
0xe: {  	[tilespmem:$0x880] =	vst v0  }
0xf: {  	[tilespmem:$0x890] =	vst v0  }
0x10: {  	[tilespmem:$0x8A0] =	vst v0  }
0x11: {  	[tilespmem:$0x8B0] =	vst v0  }
0x12: {  	[tilespmem:$0x8C0] =	vst v0  }
0x13: {  	[tilespmem:$0x8D0] =	vst v0  }
0x14: {  	[tilespmem:$0x8E0] =	vst v0  }
0x15: {  	[tilespmem:$0x8F0] =	vst v0  }
0x16: {  	[tilespmem:$0x900] =	vst v0  }
0x17: {  	[tilespmem:$0x910] =	vst v0  }
0x18: {  	[tilespmem:$0x920] =	vst v0  }
0x19: {  	[tilespmem:$0x930] =	vst v0  }
0x1a: {  	[tilespmem:$0x940] =	vst v0  }
0x1b: {  	[tilespmem:$0x950] =	vst v0  }
0x1c: {  	[tilespmem:$0x960] =	vst v0  }
0x1d: {  	[tilespmem:$0x970] =	vst v0  }
0x1e: {  	[tilespmem:$0x980] =	vst v0  }
0x1f: {  	[tilespmem:$0x990] =	vst v0  }
0x20: {  	[tilespmem:$0x9A0] =	vst v0  }
0x21: {  	[tilespmem:$0x9B0] =	vst v0  }
0x22: {  	[tilespmem:$0x9C0] =	vst v0  }
0x23: {  	[tilespmem:$0x9D0] =	vst v0  }
0x24: {  	[tilespmem:$0x9E0] =	vst v0  }
0x25: {  	[tilespmem:$0x9F0] =	vst v0  }
0x26: {  	[tilespmem:$0xA00] =	vst v0  }
0x27: {  	[tilespmem:$0xA10] =	vst v0  }
0x28: {  	[tilespmem:$0xA20] =	vst v0  }
0x29: {  	[tilespmem:$0xA30] =	vst v0  }
0x2a: {  	[tilespmem:$0xA40] =	vst v0  }
0x2b: {  	[tilespmem:$0xA50] =	vst v0  }
0x2c: {  	[tilespmem:$0xA60] =	vst v0  }
0x2d: {  	[tilespmem:$0xA70] =	vst v0  }
0x2e: {  	[tilespmem:$0xA80] =	vst v0  }
0x2f: {  	[tilespmem:$0xA90] =	vst v0  }
0x30: {  	[tilespmem:$0xAA0] =	vst v0  }
0x31: {  	[tilespmem:$0xAB0] =	vst v0  }
0x32: {  	[tilespmem:$0xAC0] =	vst v0  }
0x33: {  	[tilespmem:$0xAD0] =	vst v0  }
0x34: {  	[tilespmem:$0xAE0] =	vst v0  }
0x35: {  	[tilespmem:$0xAF0] =	vst v0  }
0x36: {  	[tilespmem:$0xB00] =	vst v0  }
0x37: {  	[tilespmem:$0xB10] =	vst v0  }
0x38: {  	[tilespmem:$0xB20] =	vst v0  }
0x39: {  	[tilespmem:$0xB30] =	vst v0  }
0x3a: {  	[tilespmem:$0xB40] =	vst v0  }
0x3b: {  	[tilespmem:$0xB50] =	vst v0  }
0x3c: {  	[tilespmem:$0xB60] =	vst v0  }
0x3d: {  	[tilespmem:$0xB70] =	vst v0  }
0x3e: {  	[tilespmem:$0xB80] =	vst v0  }
0x3f: {  	[tilespmem:$0xB90] =	vst v0  }
0x40: {  	[tilespmem:$0xBA0] =	vst v0  }
0x41: {  	[tilespmem:$0xBB0] =	vst v0  }
0x42: {  	[tilespmem:$0xBC0] =	vst v0  }
0x43: {  	s4 =	stileid.u32;
	[tilespmem:$0xBD0] =	vst v0  }
0x44: {  	s5 =	sshll.u32 s4, $0x8;
	[tilespmem:$0xBE0] =	vst v0  }
0x45: {  	s31 =	simm.s32 $0x1;
	s6 =	sadd.s32 s6, s5;
	[tilespmem:$0xBF0] =	vst v0  }
0x46: {  	[tilespmem:s7], [sflag:$0x1] =	stream.linear.gather [hbm4b:s6+s7], $0x800, $0x38;
	[tilespmem:$0x1140] =	vst v63  }
0x47: {  	_ =	swait.ge [sflag:s31], $0x800  }
0x48: {  	s8 =	simm.s32 $0x0;
	[sflag:s31] =	ssyncset.done $0x0  }
0x49: {  	v1 =	vimm.s32 $0x1;
	v0 =	vlaneseq.u32;
	s6 =	simm.s32 $0x800;
	s7 =	simm.s32 $0x40;
	[sflag:s31] =	ssyncadd.s32 $0xFFFFF800  }
.LBB2_1:
0x4a: {  	p0 =	sne.s32 s7, $0x1FC0;
	v2 =	vld [tilespmem:s8+$0x0];
	_ =	sdelay $0x4  }
0x4b: {  	v2 =	vshll.u32 v2, $0x4  }
0x4c: {  	v2 =	vor.u32 v0, v2  }
.Ltmp0:
0x4d: {  	(pc) =	sbr.rel @p0 .LBB2_1-.Ltmp0, $2  }
0x4e: {  	_ =	sdelay $0x2  }
0x4f: {  	s8 =	sshra.s32 s7, $0x2;
	s7 =	sadd.s32 $0x40, s7;
	[tilespmem:v2+s6+$0x0] =	vst.idx.add.s32.msk $0xffff, v1  }
0x50: {  	v2 =	vld [tilespmem:s8+$0x0];
	_ =	sdelay $0x4  }
0x51: {  	v3 =	vlaneseq.u32;
	v2 =	vshll.u32 v2, $0x4  }
0x52: {  	v2 =	vor.u32 v0, v2;
	v0 =	vmul.u32 $0x10, v3;
	_ =	sdelay $0x1  }
0x53: {  	v3 =	vor.u32 $0x1, v0  }
0x54: {  	v4 =	vor.u32 $0x2, v0  }
0x55: {  	v5 =	vor.u32 $0x3, v0  }
0x56: {  	s31 =	simm.s32 $0x800;
	v25 =	vor.u32 $0x4, v0;
	[tilespmem:v2+s6+$0x0] =	vst.idx.add.s32.msk $0xffff, v1  }
0x57: {  	v6 =	vor.u32 $0x5, v0;
	v2 =	vld.idx.msk [tilespmem:v0+s31+$0x0], $0xffff  }
0x58: {  	v7 =	vor.u32 $0x6, v0;
	v3 =	vld.idx.msk [tilespmem:v3+s31+$0x0], $0xffff  }
0x59: {  	v8 =	vor.u32 $0x7, v0;
	v4 =	vld.idx.msk [tilespmem:v4+s31+$0x0], $0xffff  }
0x5a: {  	v9 =	vor.u32 $0x8, v0;
	v5 =	vld.idx.msk [tilespmem:v5+s31+$0x0], $0xffff  }
0x5b: {  	v10 =	vor.u32 $0x9, v0;
	v1 =	vld.idx.msk [tilespmem:v25+s31+$0x0], $0xffff  }
0x5c: {  	v11 =	vor.u32 $0xA, v0;
	v6 =	vld.idx.msk [tilespmem:v6+s31+$0x0], $0xffff  }
0x5d: {  	v27 =	vor.u32 $0xB, v0;
	v26 =	vld.idx.msk [tilespmem:v7+s31+$0x0], $0xffff;
	v2 =	vadd.s32 v2, v3  }
0x5e: {  	v29 =	vor.u32 $0xC, v0;
	v28 =	vld.idx.msk [tilespmem:v8+s31+$0x0], $0xffff;
	v2 =	vadd.s32 v4, v2  }
0x5f: {  	v31 =	vor.u32 $0xD, v0;
	v30 =	vld.idx.msk [tilespmem:v9+s31+$0x0], $0xffff;
	v2 =	vadd.s32 v5, v2  }
0x60: {  	v33 =	vor.u32 $0xE, v0;
	v32 =	vld.idx.msk [tilespmem:v10+s31+$0x0], $0xffff;
	v1 =	vadd.s32 v1, v2  }
0x61: {  	v35 =	vor.u32 $0xF, v0;
	v34 =	vld.idx.msk [tilespmem:v11+s31+$0x0], $0xffff;
	v1 =	vadd.s32 v6, v1  }
0x62: {  	v36 =	vld.idx.msk [tilespmem:v27+s31+$0x0], $0xffff;
	v1 =	vadd.s32 v26, v1  }
0x63: {  	v37 =	vld.idx.msk [tilespmem:v29+s31+$0x0], $0xffff;
	v1 =	vadd.s32 v28, v1  }
0x64: {  	v38 =	vld.idx.msk [tilespmem:v31+s31+$0x0], $0xffff;
	v1 =	vadd.s32 v30, v1  }
0x65: {  	v39 =	vld.idx.msk [tilespmem:v33+s31+$0x0], $0xffff;
	v1 =	vadd.s32 v32, v1  }
0x66: {  	v40 =	vld.idx.msk [tilespmem:v35+s31+$0x0], $0xffff;
	v1 =	vadd.s32 v34, v1  }
0x67: {  	v1 =	vadd.s32 v36, v1  }
0x68: {  	v41 =	vor.u32 $0x100, v0;
	v1 =	vadd.s32 v37, v1  }
0x69: {  	v42 =	vor.u32 $0x101, v0;
	v1 =	vadd.s32 v38, v1  }
0x6a: {  	v43 =	vor.u32 $0x102, v0;
	v1 =	vadd.s32 v39, v1  }
0x6b: {  	v44 =	vor.u32 $0x103, v0;
	v1 =	vadd.s32 v40, v1  }
0x6c: {  	v45 =	vor.u32 $0x104, v0;
	[tilespmem:$0xC00] =	vst v1  }
0x6d: {  	v46 =	vor.u32 $0x105, v0;
	v3 =	vld.idx.msk [tilespmem:v41+s31+$0x0], $0xffff  }
0x6e: {  	v47 =	vor.u32 $0x106, v0;
	v4 =	vld.idx.msk [tilespmem:v42+s31+$0x0], $0xffff  }
0x6f: {  	v48 =	vor.u32 $0x107, v0;
	v2 =	vld.idx.msk [tilespmem:v43+s31+$0x0], $0xffff  }
0x70: {  	v49 =	vor.u32 $0x108, v0;
	v5 =	vld.idx.msk [tilespmem:v44+s31+$0x0], $0xffff  }
0x71: {  	v50 =	vor.u32 $0x109, v0;
	v1 =	vld.idx.msk [tilespmem:v45+s31+$0x0], $0xffff  }
0x72: {  	v51 =	vor.u32 $0x10A, v0;
	v6 =	vld.idx.msk [tilespmem:v46+s31+$0x0], $0xffff  }
0x73: {  	v53 =	vor.u32 $0x10B, v0;
	v52 =	vld.idx.msk [tilespmem:v47+s31+$0x0], $0xffff;
	v3 =	vadd.s32 v3, v4  }
0x74: {  	v55 =	vor.u32 $0x10C, v0;
	v54 =	vld.idx.msk [tilespmem:v48+s31+$0x0], $0xffff;
	v2 =	vadd.s32 v2, v3  }
0x75: {  	v57 =	vor.u32 $0x10D, v0;
	v56 =	vld.idx.msk [tilespmem:v49+s31+$0x0], $0xffff;
	v2 =	vadd.s32 v5, v2  }
0x76: {  	v59 =	vor.u32 $0x10E, v0;
	v58 =	vld.idx.msk [tilespmem:v50+s31+$0x0], $0xffff;
	v1 =	vadd.s32 v1, v2  }
0x77: {  	v61 =	vor.u32 $0x10F, v0;
	v60 =	vld.idx.msk [tilespmem:v51+s31+$0x0], $0xffff;
	v1 =	vadd.s32 v6, v1  }
0x78: {  	v62 =	vld.idx.msk [tilespmem:v53+s31+$0x0], $0xffff;
	v1 =	vadd.s32 v52, v1  }
0x79: {  	v63 =	vld.idx.msk [tilespmem:v55+s31+$0x0], $0xffff;
	v1 =	vadd.s32 v54, v1  }
0x7a: {  	v9 =	vld.idx.msk [tilespmem:v57+s31+$0x0], $0xffff;
	v1 =	vadd.s32 v56, v1  }
0x7b: {  	v12 =	vld.idx.msk [tilespmem:v59+s31+$0x0], $0xffff;
	v1 =	vadd.s32 v58, v1  }
0x7c: {  	v13 =	vld.idx.msk [tilespmem:v61+s31+$0x0], $0xffff;
	v1 =	vadd.s32 v60, v1  }
0x7d: {  	v1 =	vadd.s32 v62, v1  }
0x7e: {  	v14 =	vor.u32 $0x200, v0;
	v1 =	vadd.s32 v63, v1  }
0x7f: {  	v15 =	vor.u32 $0x201, v0;
	v1 =	vadd.s32 v9, v1  }
0x80: {  	v16 =	vor.u32 $0x202, v0;
	v1 =	vadd.s32 v12, v1  }
0x81: {  	v17 =	vor.u32 $0x203, v0;
	v1 =	vadd.s32 v13, v1  }
0x82: {  	v18 =	vor.u32 $0x204, v0;
	[tilespmem:$0xC10] =	vst v1  }
0x83: {  	v19 =	vor.u32 $0x205, v0;
	v3 =	vld.idx.msk [tilespmem:v14+s31+$0x0], $0xffff  }
0x84: {  	v20 =	vor.u32 $0x206, v0;
	v4 =	vld.idx.msk [tilespmem:v15+s31+$0x0], $0xffff  }
0x85: {  	v21 =	vor.u32 $0x207, v0;
	v2 =	vld.idx.msk [tilespmem:v16+s31+$0x0], $0xffff  }
0x86: {  	v22 =	vor.u32 $0x208, v0;
	v5 =	vld.idx.msk [tilespmem:v17+s31+$0x0], $0xffff  }
0x87: {  	v23 =	vor.u32 $0x209, v0;
	v1 =	vld.idx.msk [tilespmem:v18+s31+$0x0], $0xffff  }
0x88: {  	v24 =	vor.u32 $0x20A, v0;
	v6 =	vld.idx.msk [tilespmem:v19+s31+$0x0], $0xffff  }
0x89: {  	v26 =	vor.u32 $0x20B, v0;
	v25 =	vld.idx.msk [tilespmem:v20+s31+$0x0], $0xffff;
	v3 =	vadd.s32 v3, v4  }
0x8a: {  	v28 =	vor.u32 $0x20C, v0;
	v27 =	vld.idx.msk [tilespmem:v21+s31+$0x0], $0xffff;
	v2 =	vadd.s32 v2, v3  }
0x8b: {  	v30 =	vor.u32 $0x20D, v0;
	v29 =	vld.idx.msk [tilespmem:v22+s31+$0x0], $0xffff;
	v2 =	vadd.s32 v5, v2  }
0x8c: {  	v32 =	vor.u32 $0x20E, v0;
	v31 =	vld.idx.msk [tilespmem:v23+s31+$0x0], $0xffff;
	v1 =	vadd.s32 v1, v2  }
0x8d: {  	v34 =	vor.u32 $0x20F, v0;
	v33 =	vld.idx.msk [tilespmem:v24+s31+$0x0], $0xffff;
	v1 =	vadd.s32 v6, v1  }
0x8e: {  	v35 =	vld.idx.msk [tilespmem:v26+s31+$0x0], $0xffff;
	v1 =	vadd.s32 v25, v1  }
0x8f: {  	v36 =	vld.idx.msk [tilespmem:v28+s31+$0x0], $0xffff;
	v1 =	vadd.s32 v27, v1  }
0x90: {  	v37 =	vld.idx.msk [tilespmem:v30+s31+$0x0], $0xffff;
	v1 =	vadd.s32 v29, v1  }
0x91: {  	v38 =	vld.idx.msk [tilespmem:v32+s31+$0x0], $0xffff;
	v1 =	vadd.s32 v31, v1  }
0x92: {  	v39 =	vld.idx.msk [tilespmem:v34+s31+$0x0], $0xffff;
	v1 =	vadd.s32 v33, v1  }
0x93: {  	v1 =	vadd.s32 v35, v1  }
0x94: {  	v40 =	vor.u32 $0x300, v0;
	v1 =	vadd.s32 v36, v1  }
0x95: {  	v41 =	vor.u32 $0x301, v0;
	v1 =	vadd.s32 v37, v1  }
0x96: {  	v42 =	vor.u32 $0x302, v0;
	v1 =	vadd.s32 v38, v1  }
0x97: {  	v43 =	vor.u32 $0x303, v0;
	v1 =	vadd.s32 v39, v1  }
0x98: {  	v44 =	vor.u32 $0x304, v0;
	[tilespmem:$0xC20] =	vst v1  }
0x99: {  	v45 =	vor.u32 $0x305, v0;
	v3 =	vld.idx.msk [tilespmem:v40+s31+$0x0], $0xffff  }
0x9a: {  	v46 =	vor.u32 $0x306, v0;
	v4 =	vld.idx.msk [tilespmem:v41+s31+$0x0], $0xffff  }
0x9b: {  	v47 =	vor.u32 $0x307, v0;
	v2 =	vld.idx.msk [tilespmem:v42+s31+$0x0], $0xffff  }
0x9c: {  	v48 =	vor.u32 $0x308, v0;
	v5 =	vld.idx.msk [tilespmem:v43+s31+$0x0], $0xffff  }
0x9d: {  	v49 =	vor.u32 $0x309, v0;
	v1 =	vld.idx.msk [tilespmem:v44+s31+$0x0], $0xffff  }
0x9e: {  	v50 =	vor.u32 $0x30A, v0;
	v6 =	vld.idx.msk [tilespmem:v45+s31+$0x0], $0xffff  }
0x9f: {  	v52 =	vor.u32 $0x30B, v0;
	v51 =	vld.idx.msk [tilespmem:v46+s31+$0x0], $0xffff;
	v3 =	vadd.s32 v3, v4  }
0xa0: {  	v54 =	vor.u32 $0x30C, v0;
	v53 =	vld.idx.msk [tilespmem:v47+s31+$0x0], $0xffff;
	v2 =	vadd.s32 v2, v3  }
0xa1: {  	v56 =	vor.u32 $0x30D, v0;
	v55 =	vld.idx.msk [tilespmem:v48+s31+$0x0], $0xffff;
	v2 =	vadd.s32 v5, v2  }
0xa2: {  	v58 =	vor.u32 $0x30E, v0;
	v57 =	vld.idx.msk [tilespmem:v49+s31+$0x0], $0xffff;
	v1 =	vadd.s32 v1, v2  }
0xa3: {  	v0 =	vor.u32 $0x30F, v0;
	v59 =	vld.idx.msk [tilespmem:v50+s31+$0x0], $0xffff;
	v1 =	vadd.s32 v6, v1  }
0xa4: {  	v60 =	vld.idx.msk [tilespmem:v52+s31+$0x0], $0xffff;
	v1 =	vadd.s32 v51, v1  }
0xa5: {  	v61 =	vld.idx.msk [tilespmem:v54+s31+$0x0], $0xffff;
	v1 =	vadd.s32 v53, v1  }
0xa6: {  	v62 =	vld.idx.msk [tilespmem:v56+s31+$0x0], $0xffff;
	v1 =	vadd.s32 v55, v1  }
0xa7: {  	v63 =	vld.idx.msk [tilespmem:v58+s31+$0x0], $0xffff;
	v1 =	vadd.s32 v57, v1  }
0xa8: {  	v0 =	vld.idx.msk [tilespmem:v0+s31+$0x0], $0xffff;
	v1 =	vadd.s32 v59, v1  }
0xa9: {  	v1 =	vadd.s32 v60, v1  }
0xaa: {  	v1 =	vadd.s32 v61, v1  }
0xab: {  	v1 =	vadd.s32 v62, v1  }
0xac: {  	v1 =	vadd.s32 v63, v1  }
0xad: {  	s5 =	sshrl.u32 s5, $0x2;
	v0 =	vadd.s32 v0, v1  }
0xae: {  	s5 =	sadd.s32 s5, s2;
	s6 =	simm.s32 $0xC00;
	[tilespmem:$0xC30] =	vst v0  }
0xaf: {  	[spmem:s5] =	stream.linear.scatter [tilespmem:s6], [sflag:$0x1], $0x40, $0x38;
	[tilespmem:$0x1140] =	vst v63  }
0xb0: {  	s5 =	simm.s32 $0x1  }
0xb1: {  	_ =	swait.ge [sflag:s5], $0x40  }
0xb2: {  	[sflag:s5] =	ssyncset.done $0x0  }
0xb3: {  	[sflag:s5] =	ssyncadd.s32 $0xFFFFFFC0  }
0xb4: {  	p0 =	sne.s32 s4, $0x0;
	[bflag:$0x0] =	sbarrier.arrive $0xFFFF  }
0xb5: {  	_ =	sfence.sel @p0 $0x180000  }
0xb6: {  	[bflag:$0x0] =	sbarrier.arrive @p0 $0xFFFF  }
0xb7: {  	_ =	strace @p0 $0x90000047  }
0xb8: {  	[bflag:$0x2] =	sbarrier.arrive @p0 $0xFFFF  }
0xb9: {  	_ =	shalt @p0  }
.LBB2_3:
0xba: {  	s4 =	simm.s32 $0x0;
	s7 =	simm.s32 $0x1080  }
0xbb: {  	[tilespmem:s7], [sflag:$0x1] =	stream.linear.gather [hbm4b:s3+s4], $0x80, $0x38;
	[tilespmem:$0x1140] =	vst v63  }
0xbc: {  	_ =	swait.ge [sflag:s5], $0x80  }
0xbd: {  	[sflag:s5] =	ssyncset.done $0x0  }
0xbe: {  	s31 =	simm.s32 $0xC80;
	[sflag:s5] =	ssyncadd.s32 $0xFFFFFF80  }
0xbf: {  	[tilespmem:s31], [sflag:$0x1] =	stream.linear.gather [spmem:s2], $0x400, $0x38;
	[tilespmem:$0x1140] =	vst v63  }
0xc0: {  	_ =	swait.ge [sflag:s5], $0x400  }
0xc1: {  	[sflag:s5] =	ssyncset.done $0x0  }
0xc2: {  	[sflag:s5] =	ssyncadd.s32 $0xFFFFFC00  }
0xc3: {  	v0 =	vld [tilespmem:$0x1080]  }
0xc4: {  	v1 =	vld [tilespmem:$0xC80]  }
0xc5: {  	v2 =	vld [tilespmem:$0xCC0]  }
0xc6: {  	v3 =	vld [tilespmem:$0xD00]  }
0xc7: {  	v4 =	vld [tilespmem:$0xD40]  }
0xc8: {  	v5 =	vld [tilespmem:$0xD80]  }
0xc9: {  	v6 =	vld [tilespmem:$0xDC0]  }
0xca: {  	v7 =	vld [tilespmem:$0xE00]  }
0xcb: {  	v8 =	vld [tilespmem:$0xE40]  }
0xcc: {  	v9 =	vld [tilespmem:$0xE80]  }
0xcd: {  	v10 =	vld [tilespmem:$0xEC0]  }
0xce: {  	v11 =	vld [tilespmem:$0xF00]  }
0xcf: {  	v12 =	vld [tilespmem:$0xF40]  }
0xd0: {  	v13 =	vld [tilespmem:$0xF80]  }
0xd1: {  	v14 =	vld [tilespmem:$0xFC0]  }
0xd2: {  	v15 =	vld [tilespmem:$0x1000]  }
0xd3: {  	v16 =	vld [tilespmem:$0x1040]  }
0xd4: {  	v17 =	vld [tilespmem:$0xC90]  }
0xd5: {  	v18 =	vld [tilespmem:$0xCD0]  }
0xd6: {  	v19 =	vld [tilespmem:$0xD10]  }
0xd7: {  	v20 =	vld [tilespmem:$0xD50]  }
0xd8: {  	v21 =	vld [tilespmem:$0xD90]  }
0xd9: {  	v22 =	vld [tilespmem:$0xDD0]  }
0xda: {  	v23 =	vld [tilespmem:$0xE10]  }
0xdb: {  	v24 =	vld [tilespmem:$0xE50]  }
0xdc: {  	v25 =	vld [tilespmem:$0xE90]  }
0xdd: {  	v26 =	vld [tilespmem:$0xED0]  }
0xde: {  	v27 =	vld [tilespmem:$0xF10]  }
0xdf: {  	v28 =	vld [tilespmem:$0xF50]  }
0xe0: {  	v29 =	vld [tilespmem:$0xF90]  }
0xe1: {  	v30 =	vld [tilespmem:$0xFD0]  }
0xe2: {  	v31 =	vld [tilespmem:$0x1010]  }
0xe3: {  	v32 =	vld [tilespmem:$0x1050]  }
0xe4: {  	v33 =	vld [tilespmem:$0xCA0]  }
0xe5: {  	v34 =	vld [tilespmem:$0xCE0]  }
0xe6: {  	v35 =	vld [tilespmem:$0xD20]  }
0xe7: {  	v36 =	vld [tilespmem:$0xD60]  }
0xe8: {  	v37 =	vld [tilespmem:$0xDA0]  }
0xe9: {  	v38 =	vld [tilespmem:$0xDE0]  }
0xea: {  	v39 =	vld [tilespmem:$0xE20]  }
0xeb: {  	v56 =	vld [tilespmem:$0xE60]  }
0xec: {  	v57 =	vld [tilespmem:$0xEA0]  }
0xed: {  	v58 =	vld [tilespmem:$0xEE0];
	v1 =	vadd.s32 v1, v2  }
0xee: {  	v59 =	vld [tilespmem:$0xF20];
	v1 =	vadd.s32 v3, v1  }
0xef: {  	v60 =	vld [tilespmem:$0xF60];
	v1 =	vadd.s32 v4, v1  }
0xf0: {  	v41 =	vld [tilespmem:$0xCB0];
	v1 =	vadd.s32 v5, v1  }
0xf1: {  	v42 =	vld [tilespmem:$0xCF0];
	v1 =	vadd.s32 v6, v1  }
0xf2: {  	v43 =	vld [tilespmem:$0xD30];
	v1 =	vadd.s32 v7, v1  }
0xf3: {  	v45 =	vld [tilespmem:$0xD70];
	v1 =	vadd.s32 v8, v1  }
0xf4: {  	v47 =	vld [tilespmem:$0xDB0];
	v1 =	vadd.s32 v9, v1  }
0xf5: {  	v61 =	vld [tilespmem:$0xFA0];
	v1 =	vadd.s32 v10, v1  }
0xf6: {  	v48 =	vld [tilespmem:$0xDF0];
	v1 =	vadd.s32 v11, v1;
	v11 =	vadd.s32 v41, v42  }
0xf7: {  	v62 =	vld [tilespmem:$0xFE0];
	v44 =	vadd.s32 v17, v18;
	v1 =	vadd.s32 v12, v1;
	v11 =	vadd.s32 v43, v11  }
0xf8: {  	v49 =	vld [tilespmem:$0xE30];
	v46 =	vadd.s32 v33, v34;
	v1 =	vadd.s32 v13, v1;
	v11 =	vadd.s32 v45, v11  }
0xf9: {  	v50 =	vld [tilespmem:$0xE70];
	v1 =	vadd.s32 v14, v1;
	v14 =	vadd.s32 v19, v44;
	v11 =	vadd.s32 v47, v11  }
0xfa: {  	v63 =	vld [tilespmem:$0x1020];
	v1 =	vadd.s32 v15, v1;
	v14 =	vadd.s32 v20, v14;
	v15 =	vadd.s32 v35, v46  }
0xfb: {  	v51 =	vld [tilespmem:$0xEB0];
	v11 =	vadd.s32 v48, v11;
	v14 =	vadd.s32 v21, v14;
	v15 =	vadd.s32 v36, v15  }
0xfc: {  	v40 =	vld [tilespmem:$0x1060];
	v1 =	vadd.s32 v16, v1;
	v14 =	vadd.s32 v22, v14;
	v15 =	vadd.s32 v37, v15  }
0xfd: {  	v52 =	vld [tilespmem:$0xEF0];
	v54 =	vadd.s32 v49, v11;
	v14 =	vadd.s32 v23, v14;
	v15 =	vadd.s32 v38, v15  }
0xfe: {  	v53 =	vld [tilespmem:$0xF30];
	v3 =	vadd.s32 v50, v54;
	v14 =	vadd.s32 v24, v14;
	v15 =	vadd.s32 v39, v15  }
0xff: {  	v55 =	vld [tilespmem:$0xF70];
	vm0 =	vlt.s32 v1, v0;
	v14 =	vadd.s32 v25, v14;
	v2 =	vadd.s32 v56, v15  }
0x100: {  	v3 =	vadd.s32 v51, v3;
	v14 =	vadd.s32 v26, v14;
	v2 =	vadd.s32 v57, v2;
	v57 =	vld [tilespmem:$0xFB0]  }
0x101: {  	v1 =	vsel vm0, v1, v0;
	v56 =	vadd.s32 v27, v14;
	v2 =	vadd.s32 v58, v2;
	v58 =	vld [tilespmem:$0xFF0]  }
0x102: {  	v3 =	vadd.s32 v52, v3;
	v12 =	vadd.s32 v28, v56;
	v2 =	vadd.s32 v59, v2;
	v59 =	vld [tilespmem:$0x1030]  }
0x103: {  	v3 =	vadd.s32 v53, v3;
	v12 =	vadd.s32 v29, v12;
	v2 =	vadd.s32 v60, v2;
	v60 =	vld [tilespmem:$0x1070]  }
0x104: {  	v3 =	vadd.s32 v55, v3;
	v12 =	vadd.s32 v30, v12;
	v2 =	vadd.s32 v61, v2  }
0x105: {  	v12 =	vadd.s32 v31, v12;
	v2 =	vadd.s32 v62, v2;
	v3 =	vadd.s32 v57, v3  }
0x106: {  	v61 =	vadd.s32 v32, v12;
	v2 =	vadd.s32 v63, v2;
	v3 =	vadd.s32 v58, v3  }
0x107: {  	v2 =	vadd.s32 v40, v2;
	v3 =	vadd.s32 v59, v3;
	vm13 =	vlt.s32 v61, v0  }
0x108: {  	[tilespmem:$0xC00] =	vst v1;
	v62 =	vadd.s32 v60, v3;
	v63 =	vsel vm13, v61, v0;
	vm14 =	vlt.s32 v2, v0  }
0x109: {  	[tilespmem:$0xC10] =	vst v63;
	v2 =	vsel vm14, v2, v0;
	vm15 =	vlt.s32 v62, v0  }
0x10a: {  	[tilespmem:$0xC20] =	vst v2;
	v0 =	vsel vm15, v62, v0  }
0x10b: {  	[tilespmem:$0xC30] =	vst v0  }
0x10c: {  	[hbm4b:s1+s4] =	stream.linear.scatter [tilespmem:s6], [sflag:$0x1], $0x80, $0x38;
	[tilespmem:$0x1140] =	vst v63  }
0x10d: {  	_ =	swait.ge [sflag:s5], $0x80  }
0x10e: {  	[sflag:s5] =	ssyncset.done $0x0  }
0x10f: {  	[sflag:s5] =	ssyncadd.s32 $0xFFFFFF80  }
0x110: {  	_ =	sfence.sel $0x180000  }
0x111: {  	[bflag:$0x0] =	sbarrier.arrive $0xFFFF  }
0x112: {  	_ =	strace $0x90000047  }
0x113: {  	s0 =	sadd.s32 $0x100000, s0;
	[bflag:$0x2] =	sbarrier.arrive $0xFFFF  }
0x114: {  	[sflag:s0] =	ssyncadd.tile.s32 $0x1;
	_ =	shalt  }
.Lfunc_end2:
_tile_overlayer_lowered:
.L_overlay_start_2:
0x115: {  	(tag) =	ssettag $0x2  }
0x116: {  	s0 =	rddreg [dreg:$0x0];
	s2 =	stileid.u32  }
0x117: {  	s1 =	rddreg [dreg:$0x1];
	p0 =	sne.s32 s2, $0x0  }
0x118: {  	s3 =	rddreg [dreg:$0x2];
	[bflag:$0x3] =	sbarrier.arrive $0xFFFF;
	s2 =	simm.s32 @!p0 $0x1C01  }
0x119: {  	[timem:s3], [sflag:s2] =	dma.local @!p0 [hbm:s0], s1  }
0x11a: {  	s0 =	simm.s32 @!p0 $0x1  }
0x11b: {  	_ =	swait.ge @!p0 [sflag:s0], s1  }
0x11c: {  	s1 =	ssub.s32 @!p0 $0x0, s1;
	[sflag:s0] =	ssyncset.done @!p0 $0x0  }
0x11d: {  	[sflag:s0] =	ssyncadd.s32 @!p0 s1  }
0x11e: {  	[bflag:$0x3] =	sbarrier.arrive $0xFFFF  }
0x11f: {  	_ =	shalt  }

</sc_bundles>
